<compile_context>
chip_gen: v7x
topology: tpu7x:2x2x1
jax: 0.10.2.dev20260603
libtpu: 0.0.44.dev20260713+nightly
codegen_flags: <defaults>
</compile_context>

<pallas_src>
import functools

import jax
import jax.numpy as jnp
from jax import lax
from jax.experimental import pallas as pl
from jax.experimental.pallas import tpu as pltpu
from jax.experimental.pallas import tpu_sc as plsc

_NUM_V = 1_000_000
_NUM_T = 4_000_000
_NUM_L = 3 * _NUM_T
_NC = 2
_NS = 16
_NW = _NC * _NS
_LPW = _NUM_L // _NW
_SB = 3000
_NSB = _LPW // _SB
_ND = 2
_NI = 4

_mesh = plsc.VectorSubcoreMesh(
    core_axis_name="c", subcore_axis_name="s", num_cores=_NC)


@functools.partial(
    pl.kernel,
    mesh=_mesh,
    out_type=jax.ShapeDtypeStruct((_NUM_L, 1, 3), jnp.float32),
    scratch_types=[
        pltpu.VMEM((_NI, _SB), jnp.int32),
        pltpu.VMEM((_ND, _SB, 1, 16), jnp.float32),
        pltpu.SemaphoreType.DMA((_NI,)),
        pltpu.SemaphoreType.DMA((_ND,)),
        pltpu.SemaphoreType.DMA((_ND,)),
    ],
    compiler_params=pltpu.CompilerParams(use_tc_tiling_on_sc=False),
)
def _gather_sc(table_hbm, idx_hbm, out_hbm, idx_v, rows_v,
               isem, gsem, ssem):
    wid = lax.axis_index("s") * _NC + lax.axis_index("c")
    base_l = wid * _LPW

    def start_idx(g, i):
        pltpu.async_copy(
            idx_hbm.at[pl.ds(base_l + g * _SB, _SB)],
            idx_v.at[i], isem.at[i])

    def wait_idx(i):
        pltpu.make_async_copy(
            idx_hbm.at[pl.ds(base_l, _SB)], idx_v.at[i], isem.at[i]).wait()

    def start_gather(i, p):
        pltpu.async_copy(
            table_hbm.at[idx_v.at[i]], rows_v.at[p], gsem.at[p])

    def wait_gather(i, p):
        pltpu.make_async_copy(
            table_hbm.at[idx_v.at[i]], rows_v.at[p], gsem.at[p]).wait()

    def start_store(g, p):
        pltpu.async_copy(
            rows_v.at[p, :, :, pl.ds(0, 3)],
            out_hbm.at[pl.ds(base_l + g * _SB, _SB)], ssem.at[p])

    def wait_store(p):
        pltpu.make_async_copy(
            rows_v.at[p, :, :, pl.ds(0, 3)],
            out_hbm.at[pl.ds(base_l, _SB)], ssem.at[p]).wait()

    for g0 in range(2):
        start_idx(g0, g0)

    def body(g, carry):
        pd = lax.rem(g, _ND)
        qd = lax.rem(g + 1, _ND)
        pi = lax.rem(g, _NI)
        ni = lax.rem(g + 2, _NI)
        mi = lax.rem(g + (_NI - (_ND - 1)), _NI)

        @pl.when(g + 2 < _NSB)
        def _():
            start_idx(g + 2, ni)

        @pl.when(g >= _ND)
        def _():
            wait_store(pd)

        wait_idx(pi)
        start_gather(pi, pd)

        @pl.when(g >= _ND - 1)
        def _():
            wait_gather(mi, qd)
            start_store(g - (_ND - 1), qd)

        return carry

    lax.fori_loop(0, _NSB, body, 0)

    for r in range(_ND - 1):
        g = _NSB - (_ND - 1) + r
        pd = g % _ND
        wait_gather(g % _NI, pd)
        start_store(g, pd)
    for r in range(_ND):
        g = _NSB - _ND + r
        wait_store(g % _ND)


def kernel(vertices, triangles):
    table16 = jnp.pad(vertices, ((0, 0), (0, 13)))
    idx_flat = triangles.reshape(_NUM_L)
    out = _gather_sc(table16.reshape(_NUM_V, 1, 16), idx_flat)
    return out.reshape(_NUM_T, 3, 3)

# --- scband reference (transcript-rebuilt; emitter-appended) ---
"""Pipeline reference for scband-triangle-mesh-87926570484088 (READ-ONLY COPY).

The authoritative reference and input builder live on the scoring server;
editing this copy changes nothing except your own understanding.
"""

import jax, jax.numpy as jnp
import numpy as np

NUM_VERTICES = 1000000
NUM_TRIANGLES = 4000000


def setup_inputs(seed: int = 0) -> dict:
    key = jax.random.key(seed)
    k1, k2 = jax.random.split(key)
    vertices = jax.random.normal(k1, (NUM_VERTICES, 3), dtype=jnp.float32)
    triangles = jax.random.randint(k2, (NUM_TRIANGLES, 3), 0, NUM_VERTICES, dtype=jnp.int32)
    return {"vertices": vertices, "triangles": triangles}


def reference(vertices, triangles):
    # TriangleMesh.triangle_vertices: gather (embedding-lookup style) of vertex
    # coordinates by triangle indices.
    # vertices: float32[num_vertices, 3]
    # triangles: int32[num_triangles, 3]
    # returns: float32[num_triangles, 3, 3]
    return jnp.take(vertices, triangles, axis=0)

if __name__ == "__main__":
    import jax
    _d = setup_inputs()
    print(jax.jit(kernel)(*tuple(_d.values())))

</pallas_src>

<mosaic_0001>
#map = affine_map<(d0, d1) -> (0, 0, 0)>
#map1 = affine_map<(d0, d1) -> (0)>
module attributes {stable_mosaic.version = 14 : i64} {
  func.func @_gather_sc(%arg0: i32, %arg1: i32, %arg2: memref<1000000x1x16xf32, #tpu.memory_space<hbm>>, %arg3: memref<12000000xi32, #tpu.memory_space<hbm>>, %arg4: memref<12000000x1x3xf32, #tpu.memory_space<hbm>>, %arg5: memref<4x3000xi32, #tpu.memory_space<vmem>>, %arg6: memref<2x3000x1x16xf32, #tpu.memory_space<vmem>>, %arg7: memref<4x!tpu.dma_semaphore, #tpu.memory_space<semaphore_mem>>, %arg8: memref<2x!tpu.dma_semaphore, #tpu.memory_space<semaphore_mem>>, %arg9: memref<2x!tpu.dma_semaphore, #tpu.memory_space<semaphore_mem>>) attributes {dimension_semantics = [#tpu.dimension_semantics<core_parallel>, #tpu.dimension_semantics<subcore_parallel>], iteration_bounds = array<i64: 2, 16>, scalar_prefetch = 0 : i64, scratch_operands = 5 : i64, tpu.core_type = #tpu.core_type<sc_vector_subcore>, window_params = [{transform_indices = #map}, {transform_indices = #map1}, {transform_indices = #map}]} {
    %mul3A = arith.constant 2 : i32
    %mul3A_0 = arith.muli %arg1, %mul3A : i32
    %add3A = arith.addi %mul3A_0, %arg0 : i32
    %mul3A_1 = arith.constant 375000 : i32
    %mul3A_2 = arith.muli %add3A, %mul3A_1 : i32
    %add3A_3 = arith.constant 0 : i32
    %add3A_4 = arith.addi %mul3A_2, %add3A_3 : i32
    %dma_start3A = arith.constant 0 : i32
    %dma_start3A_5 = arith.constant 0 : i32
    %dma_start3A_6 = arith.constant 0 : i32
    %dma_start3A_7 = tpu.memref_slice %arg5[%dma_start3A, %dma_start3A_6] : memref<4x3000xi32, #tpu.memory_space<vmem>> -> memref<1x3000xi32, #tpu.memory_space<vmem>>
    %dma_start3A_8 = tpu.memref_squeeze %dma_start3A_7 : memref<1x3000xi32, #tpu.memory_space<vmem>> -> memref<3000xi32, #tpu.memory_space<vmem>>
    %dma_start3A_9 = tpu.memref_slice %arg3[%add3A_4] : memref<12000000xi32, #tpu.memory_space<hbm>> -> memref<3000xi32, #tpu.memory_space<hbm>>
    %dma_start3A_10 = tpu.memref_slice %arg7[%dma_start3A_5] : memref<4x!tpu.dma_semaphore, #tpu.memory_space<semaphore_mem>> -> memref<1x!tpu.dma_semaphore, #tpu.memory_space<semaphore_mem>>
    %dma_start3A_11 = tpu.memref_squeeze %dma_start3A_10 : memref<1x!tpu.dma_semaphore, #tpu.memory_space<semaphore_mem>> -> memref<!tpu.dma_semaphore, #tpu.memory_space<semaphore_mem>>
    %dma_start3A_12 = arith.constant 0 : i32
    %dma_start3A_13 = tpu.memref_slice %arg5[%dma_start3A, %dma_start3A_12] : memref<4x3000xi32, #tpu.memory_space<vmem>> -> memref<1x3000xi32, #tpu.memory_space<vmem>>
    %dma_start3A_14 = tpu.memref_squeeze %dma_start3A_13 : memref<1x3000xi32, #tpu.memory_space<vmem>> -> memref<3000xi32, #tpu.memory_space<vmem>>
    %dma_start3A_15 = tpu.memref_slice %arg3[%add3A_4] : memref<12000000xi32, #tpu.memory_space<hbm>> -> memref<3000xi32, #tpu.memory_space<hbm>>
    tpu.enqueue_dma source(%dma_start3A_15 : memref<3000xi32, #tpu.memory_space<hbm>>) target(%dma_start3A_14 : memref<3000xi32, #tpu.memory_space<vmem>>) target_semaphore(%dma_start3A_11 : memref<!tpu.dma_semaphore, #tpu.memory_space<semaphore_mem>>)
    %add3A_16 = arith.constant 3000 : i32
    %add3A_17 = arith.addi %mul3A_2, %add3A_16 : i32
    %dma_start3A_18 = arith.constant 1 : i32
    %dma_start3A_19 = arith.constant 1 : i32
    %dma_start3A_20 = arith.constant 0 : i32
    %dma_start3A_21 = tpu.memref_slice %arg5[%dma_start3A_18, %dma_start3A_20] : memref<4x3000xi32, #tpu.memory_space<vmem>> -> memref<1x3000xi32, #tpu.memory_space<vmem>>
    %dma_start3A_22 = tpu.memref_squeeze %dma_start3A_21 : memref<1x3000xi32, #tpu.memory_space<vmem>> -> memref<3000xi32, #tpu.memory_space<vmem>>
    %dma_start3A_23 = tpu.memref_slice %arg3[%add3A_17] : memref<12000000xi32, #tpu.memory_space<hbm>> -> memref<3000xi32, #tpu.memory_space<hbm>>
    %dma_start3A_24 = tpu.memref_slice %arg7[%dma_start3A_19] : memref<4x!tpu.dma_semaphore, #tpu.memory_space<semaphore_mem>> -> memref<1x!tpu.dma_semaphore, #tpu.memory_space<semaphore_mem>>
    %dma_start3A_25 = tpu.memref_squeeze %dma_start3A_24 : memref<1x!tpu.dma_semaphore, #tpu.memory_space<semaphore_mem>> -> memref<!tpu.dma_semaphore, #tpu.memory_space<semaphore_mem>>
    %dma_start3A_26 = arith.constant 0 : i32
    %dma_start3A_27 = tpu.memref_slice %arg5[%dma_start3A_18, %dma_start3A_26] : memref<4x3000xi32, #tpu.memory_space<vmem>> -> memref<1x3000xi32, #tpu.memory_space<vmem>>
    %dma_start3A_28 = tpu.memref_squeeze %dma_start3A_27 : memref<1x3000xi32, #tpu.memory_space<vmem>> -> memref<3000xi32, #tpu.memory_space<vmem>>
    %dma_start3A_29 = tpu.memref_slice %arg3[%add3A_17] : memref<12000000xi32, #tpu.memory_space<hbm>> -> memref<3000xi32, #tpu.memory_space<hbm>>
    tpu.enqueue_dma source(%dma_start3A_29 : memref<3000xi32, #tpu.memory_space<hbm>>) target(%dma_start3A_28 : memref<3000xi32, #tpu.memory_space<vmem>>) target_semaphore(%dma_start3A_25 : memref<!tpu.dma_semaphore, #tpu.memory_space<semaphore_mem>>)
    %scan3A = arith.constant 0 : i32
    %scan3A_30 = arith.constant 0 : i32
    %scan3A_31 = arith.constant 125 : i32
    %scan3A_32 = arith.addi %scan3A_30, %scan3A_31 : i32
    %scan3A_33 = arith.constant 1 : i32
    scf.for %scan3A_113 = %scan3A_30 to %scan3A_32 step %scan3A_33  : i32 {
      %rem3A = arith.constant 2 : i32
      %rem3A_114 = arith.remsi %scan3A_113, %rem3A : i32
      %add3A_115 = arith.constant 1 : i32
      %add3A_116 = arith.addi %scan3A_113, %add3A_115 : i32
      %rem3A_117 = arith.constant 2 : i32
      %rem3A_118 = arith.remsi %add3A_116, %rem3A_117 : i32
      %rem3A_119 = arith.constant 4 : i32
      %rem3A_120 = arith.remsi %scan3A_113, %rem3A_119 : i32
      %add3A_121 = arith.constant 2 : i32
      %add3A_122 = arith.addi %scan3A_113, %add3A_121 : i32
      %rem3A_123 = arith.constant 4 : i32
      %rem3A_124 = arith.remsi %add3A_122, %rem3A_123 : i32
      %add3A_125 = arith.constant 3 : i32
      %add3A_126 = arith.addi %scan3A_113, %add3A_125 : i32
      %rem3A_127 = arith.constant 4 : i32
      %rem3A_128 = arith.remsi %add3A_126, %rem3A_127 : i32
      %add3A_129 = arith.constant 2 : i32
      %add3A_130 = arith.addi %scan3A_113, %add3A_129 : i32
      %lt3A = arith.constant 125 : i32
      %lt3A_131 = arith.cmpi slt, %add3A_130, %lt3A : i32
      %convert_element_type3A = arith.extui %lt3A_131 : i1 to i32
      %cond3A = arith.constant 0 : i32
      %cond3A_132 = arith.cmpi ne, %convert_element_type3A, %cond3A : i32
      scf.if %cond3A_132 {
        %add3A_166 = arith.constant 2 : i32
        %add3A_167 = arith.addi %scan3A_113, %add3A_166 : i32
        %mul3A_168 = arith.constant 3000 : i32
        %mul3A_169 = arith.muli %add3A_167, %mul3A_168 : i32
        %add3A_170 = arith.addi %mul3A_2, %mul3A_169 : i32
        %dma_start3A_171 = arith.constant 0 : i32
        %dma_start3A_172 = tpu.memref_slice %arg5[%rem3A_124, %dma_start3A_171] : memref<4x3000xi32, #tpu.memory_space<vmem>> -> memref<1x3000xi32, #tpu.memory_space<vmem>>
        %dma_start3A_173 = tpu.memref_squeeze %dma_start3A_172 : memref<1x3000xi32, #tpu.memory_space<vmem>> -> memref<3000xi32, #tpu.memory_space<vmem>>
        %dma_start3A_174 = tpu.memref_slice %arg3[%add3A_170] : memref<12000000xi32, #tpu.memory_space<hbm>> -> memref<3000xi32, #tpu.memory_space<hbm>>
        %dma_start3A_175 = tpu.memref_slice %arg7[%rem3A_124] : memref<4x!tpu.dma_semaphore, #tpu.memory_space<semaphore_mem>> -> memref<1x!tpu.dma_semaphore, #tpu.memory_space<semaphore_mem>>
        %dma_start3A_176 = tpu.memref_squeeze %dma_start3A_175 : memref<1x!tpu.dma_semaphore, #tpu.memory_space<semaphore_mem>> -> memref<!tpu.dma_semaphore, #tpu.memory_space<semaphore_mem>>
        %dma_start3A_177 = arith.constant 0 : i32
        %dma_start3A_178 = tpu.memref_slice %arg5[%rem3A_124, %dma_start3A_177] : memref<4x3000xi32, #tpu.memory_space<vmem>> -> memref<1x3000xi32, #tpu.memory_space<vmem>>
        %dma_start3A_179 = tpu.memref_squeeze %dma_start3A_178 : memref<1x3000xi32, #tpu.memory_space<vmem>> -> memref<3000xi32, #tpu.memory_space<vmem>>
        %dma_start3A_180 = tpu.memref_slice %arg3[%add3A_170] : memref<12000000xi32, #tpu.memory_space<hbm>> -> memref<3000xi32, #tpu.memory_space<hbm>>
        tpu.enqueue_dma source(%dma_start3A_180 : memref<3000xi32, #tpu.memory_space<hbm>>) target(%dma_start3A_179 : memref<3000xi32, #tpu.memory_space<vmem>>) target_semaphore(%dma_start3A_176 : memref<!tpu.dma_semaphore, #tpu.memory_space<semaphore_mem>>)
      } else {
      }
      %ge3A = arith.constant 2 : i32
      %ge3A_133 = arith.cmpi sge, %scan3A_113, %ge3A : i32
      %convert_element_type3A_134 = arith.extui %ge3A_133 : i1 to i32
      %cond3A_135 = arith.constant 0 : i32
      %cond3A_136 = arith.cmpi ne, %convert_element_type3A_134, %cond3A_135 : i32
      scf.if %cond3A_136 {
        %dma_wait3A_166 = arith.constant 0 : i32
        %dma_wait3A_167 = arith.constant 0 : i32
        %dma_wait3A_168 = arith.constant 0 : i32
        %dma_wait3A_169 = tpu.memref_slice %arg6[%rem3A_114, %dma_wait3A_166, %dma_wait3A_167, %dma_wait3A_168] : memref<2x3000x1x16xf32, #tpu.memory_space<vmem>> -> memref<1x3000x1x3xf32, #tpu.memory_space<vmem>>
        %dma_wait3A_170 = tpu.memref_squeeze %dma_wait3A_169 : memref<1x3000x1x3xf32, #tpu.memory_space<vmem>> -> memref<3000x1x3xf32, #tpu.memory_space<vmem>>
        %dma_wait3A_171 = arith.constant 0 : i32
        %dma_wait3A_172 = arith.constant 0 : i32
        %dma_wait3A_173 = tpu.memref_slice %arg4[%mul3A_2, %dma_wait3A_171, %dma_wait3A_172] : memref<12000000x1x3xf32, #tpu.memory_space<hbm>> -> memref<3000x1x3xf32, #tpu.memory_space<hbm>>
        %dma_wait3A_174 = tpu.memref_slice %arg9[%rem3A_114] : memref<2x!tpu.dma_semaphore, #tpu.memory_space<semaphore_mem>> -> memref<1x!tpu.dma_semaphore, #tpu.memory_space<semaphore_mem>>
        %dma_wait3A_175 = tpu.memref_squeeze %dma_wait3A_174 : memref<1x!tpu.dma_semaphore, #tpu.memory_space<semaphore_mem>> -> memref<!tpu.dma_semaphore, #tpu.memory_space<semaphore_mem>>
        %dma_wait3A_176 = arith.constant 0 : i32
        %dma_wait3A_177 = arith.constant 0 : i32
        %dma_wait3A_178 = tpu.memref_slice %arg4[%mul3A_2, %dma_wait3A_176, %dma_wait3A_177] : memref<12000000x1x3xf32, #tpu.memory_space<hbm>> -> memref<3000x1x3xf32, #tpu.memory_space<hbm>>
        %dma_wait3A_179 = arith.constant 0 : i32
        %dma_wait3A_180 = arith.constant 0 : i32
        %dma_wait3A_181 = arith.constant 0 : i32
        %dma_wait3A_182 = tpu.memref_slice %arg6[%rem3A_114, %dma_wait3A_179, %dma_wait3A_180, %dma_wait3A_181] : memref<2x3000x1x16xf32, #tpu.memory_space<vmem>> -> memref<1x3000x1x3xf32, #tpu.memory_space<vmem>>
        %dma_wait3A_183 = tpu.memref_squeeze %dma_wait3A_182 : memref<1x3000x1x3xf32, #tpu.memory_space<vmem>> -> memref<3000x1x3xf32, #tpu.memory_space<vmem>>
        tpu.wait_dma2 semaphore(%dma_wait3A_175 : memref<!tpu.dma_semaphore, #tpu.memory_space<semaphore_mem>>) src(%dma_wait3A_183 : memref<3000x1x3xf32, #tpu.memory_space<vmem>>) dst(%dma_wait3A_178 : memref<3000x1x3xf32, #tpu.memory_space<hbm>>)
      } else {
      }
      %dma_wait3A_137 = arith.constant 0 : i32
      %dma_wait3A_138 = tpu.memref_slice %arg5[%rem3A_120, %dma_wait3A_137] : memref<4x3000xi32, #tpu.memory_space<vmem>> -> memref<1x3000xi32, #tpu.memory_space<vmem>>
      %dma_wait3A_139 = tpu.memref_squeeze %dma_wait3A_138 : memref<1x3000xi32, #tpu.memory_space<vmem>> -> memref<3000xi32, #tpu.memory_space<vmem>>
      %dma_wait3A_140 = tpu.memref_slice %arg3[%mul3A_2] : memref<12000000xi32, #tpu.memory_space<hbm>> -> memref<3000xi32, #tpu.memory_space<hbm>>
      %dma_wait3A_141 = tpu.memref_slice %arg7[%rem3A_120] : memref<4x!tpu.dma_semaphore, #tpu.memory_space<semaphore_mem>> -> memref<1x!tpu.dma_semaphore, #tpu.memory_space<semaphore_mem>>
      %dma_wait3A_142 = tpu.memref_squeeze %dma_wait3A_141 : memref<1x!tpu.dma_semaphore, #tpu.memory_space<semaphore_mem>> -> memref<!tpu.dma_semaphore, #tpu.memory_space<semaphore_mem>>
      %dma_wait3A_143 = arith.constant 0 : i32
      %dma_wait3A_144 = tpu.memref_slice %arg5[%rem3A_120, %dma_wait3A_143] : memref<4x3000xi32, #tpu.memory_space<vmem>> -> memref<1x3000xi32, #tpu.memory_space<vmem>>
      %dma_wait3A_145 = tpu.memref_squeeze %dma_wait3A_144 : memref<1x3000xi32, #tpu.memory_space<vmem>> -> memref<3000xi32, #tpu.memory_space<vmem>>
      %dma_wait3A_146 = tpu.memref_slice %arg3[%mul3A_2] : memref<12000000xi32, #tpu.memory_space<hbm>> -> memref<3000xi32, #tpu.memory_space<hbm>>
      tpu.wait_dma2 semaphore(%dma_wait3A_142 : memref<!tpu.dma_semaphore, #tpu.memory_space<semaphore_mem>>) src(%dma_wait3A_146 : memref<3000xi32, #tpu.memory_space<hbm>>) dst(%dma_wait3A_145 : memref<3000xi32, #tpu.memory_space<vmem>>)
      %dma_start3A_147 = arith.constant 0 : i32
      %dma_start3A_148 = arith.constant 0 : i32
      %dma_start3A_149 = arith.constant 0 : i32
      %dma_start3A_150 = tpu.memref_slice %arg6[%rem3A_114, %dma_start3A_147, %dma_start3A_148, %dma_start3A_149] : memref<2x3000x1x16xf32, #tpu.memory_space<vmem>> -> memref<1x3000x1x16xf32, #tpu.memory_space<vmem>>
      %dma_start3A_151 = tpu.memref_squeeze %dma_start3A_150 : memref<1x3000x1x16xf32, #tpu.memory_space<vmem>> -> memref<3000x1x16xf32, #tpu.memory_space<vmem>>
      %dma_start3A_152 = arith.constant 0 : i32
      %dma_start3A_153 = tpu.memref_slice %arg5[%rem3A_120, %dma_start3A_152] : memref<4x3000xi32, #tpu.memory_space<vmem>> -> memref<1x3000xi32, #tpu.memory_space<vmem>>
      %dma_start3A_154 = tpu.memref_squeeze %dma_start3A_153 : memref<1x3000xi32, #tpu.memory_space<vmem>> -> memref<3000xi32, #tpu.memory_space<vmem>>
      %dma_start3A_155 = arith.constant 0 : i32
      %dma_start3A_156 = arith.constant 0 : i32
      %dma_start3A_157 = arith.constant 0 : i32
      %dma_start3A_158 = tpu.memref_slice %arg2[%dma_start3A_155, %dma_start3A_156, %dma_start3A_157] : memref<1000000x1x16xf32, #tpu.memory_space<hbm>> -> memref<1000000x1x16xf32, #tpu.memory_space<hbm>>
      %dma_start3A_159 = tpu.memref_slice %arg8[%rem3A_114] : memref<2x!tpu.dma_semaphore, #tpu.memory_space<semaphore_mem>> -> memref<1x!tpu.dma_semaphore, #tpu.memory_space<semaphore_mem>>
      %dma_start3A_160 = tpu.memref_squeeze %dma_start3A_159 : memref<1x!tpu.dma_semaphore, #tpu.memory_space<semaphore_mem>> -> memref<!tpu.dma_semaphore, #tpu.memory_space<semaphore_mem>>
      tpu.enqueue_indirect_dma source(%dma_start3A_158 : memref<1000000x1x16xf32, #tpu.memory_space<hbm>>) target(%dma_start3A_151 : memref<3000x1x16xf32, #tpu.memory_space<vmem>>) offsets(%dma_start3A_154 : memref<3000xi32, #tpu.memory_space<vmem>>) semaphore(%dma_start3A_160 : memref<!tpu.dma_semaphore, #tpu.memory_space<semaphore_mem>>)
      %ge3A_161 = arith.constant 1 : i32
      %ge3A_162 = arith.cmpi sge, %scan3A_113, %ge3A_161 : i32
      %convert_element_type3A_163 = arith.extui %ge3A_162 : i1 to i32
      %cond3A_164 = arith.constant 0 : i32
      %cond3A_165 = arith.cmpi ne, %convert_element_type3A_163, %cond3A_164 : i32
      scf.if %cond3A_165 {
        %dma_wait3A_166 = arith.constant 0 : i32
        %dma_wait3A_167 = arith.constant 0 : i32
        %dma_wait3A_168 = arith.constant 0 : i32
        %dma_wait3A_169 = tpu.memref_slice %arg6[%rem3A_118, %dma_wait3A_166, %dma_wait3A_167, %dma_wait3A_168] : memref<2x3000x1x16xf32, #tpu.memory_space<vmem>> -> memref<1x3000x1x16xf32, #tpu.memory_space<vmem>>
        %dma_wait3A_170 = tpu.memref_squeeze %dma_wait3A_169 : memref<1x3000x1x16xf32, #tpu.memory_space<vmem>> -> memref<3000x1x16xf32, #tpu.memory_space<vmem>>
        %dma_wait3A_171 = arith.constant 0 : i32
        %dma_wait3A_172 = tpu.memref_slice %arg5[%rem3A_128, %dma_wait3A_171] : memref<4x3000xi32, #tpu.memory_space<vmem>> -> memref<1x3000xi32, #tpu.memory_space<vmem>>
        %dma_wait3A_173 = tpu.memref_squeeze %dma_wait3A_172 : memref<1x3000xi32, #tpu.memory_space<vmem>> -> memref<3000xi32, #tpu.memory_space<vmem>>
        %dma_wait3A_174 = arith.constant 0 : i32
        %dma_wait3A_175 = arith.constant 0 : i32
        %dma_wait3A_176 = arith.constant 0 : i32
        %dma_wait3A_177 = tpu.memref_slice %arg2[%dma_wait3A_174, %dma_wait3A_175, %dma_wait3A_176] : memref<1000000x1x16xf32, #tpu.memory_space<hbm>> -> memref<1000000x1x16xf32, #tpu.memory_space<hbm>>
        %dma_wait3A_178 = tpu.memref_slice %arg8[%rem3A_118] : memref<2x!tpu.dma_semaphore, #tpu.memory_space<semaphore_mem>> -> memref<1x!tpu.dma_semaphore, #tpu.memory_space<semaphore_mem>>
        %dma_wait3A_179 = tpu.memref_squeeze %dma_wait3A_178 : memref<1x!tpu.dma_semaphore, #tpu.memory_space<semaphore_mem>> -> memref<!tpu.dma_semaphore, #tpu.memory_space<semaphore_mem>>
        tpu.wait_indirect_dma semaphore(%dma_wait3A_179 : memref<!tpu.dma_semaphore, #tpu.memory_space<semaphore_mem>>) src(%dma_wait3A_177 : memref<1000000x1x16xf32, #tpu.memory_space<hbm>>) dst(%dma_wait3A_170 : memref<3000x1x16xf32, #tpu.memory_space<vmem>>)
        %sub3A = arith.constant 1 : i32
        %sub3A_180 = arith.subi %scan3A_113, %sub3A : i32
        %mul3A_181 = arith.constant 3000 : i32
        %mul3A_182 = arith.muli %sub3A_180, %mul3A_181 : i32
        %add3A_183 = arith.addi %mul3A_2, %mul3A_182 : i32
        %dma_start3A_184 = arith.constant 0 : i32
        %dma_start3A_185 = arith.constant 0 : i32
        %dma_start3A_186 = arith.constant 0 : i32
        %dma_start3A_187 = tpu.memref_slice %arg6[%rem3A_118, %dma_start3A_184, %dma_start3A_185, %dma_start3A_186] : memref<2x3000x1x16xf32, #tpu.memory_space<vmem>> -> memref<1x3000x1x3xf32, #tpu.memory_space<vmem>>
        %dma_start3A_188 = tpu.memref_squeeze %dma_start3A_187 : memref<1x3000x1x3xf32, #tpu.memory_space<vmem>> -> memref<3000x1x3xf32, #tpu.memory_space<vmem>>
        %dma_start3A_189 = arith.constant 0 : i32
        %dma_start3A_190 = arith.constant 0 : i32
        %dma_start3A_191 = tpu.memref_slice %arg4[%add3A_183, %dma_start3A_189, %dma_start3A_190] : memref<12000000x1x3xf32, #tpu.memory_space<hbm>> -> memref<3000x1x3xf32, #tpu.memory_space<hbm>>
        %dma_start3A_192 = tpu.memref_slice %arg9[%rem3A_118] : memref<2x!tpu.dma_semaphore, #tpu.memory_space<semaphore_mem>> -> memref<1x!tpu.dma_semaphore, #tpu.memory_space<semaphore_mem>>
        %dma_start3A_193 = tpu.memref_squeeze %dma_start3A_192 : memref<1x!tpu.dma_semaphore, #tpu.memory_space<semaphore_mem>> -> memref<!tpu.dma_semaphore, #tpu.memory_space<semaphore_mem>>
        %dma_start3A_194 = arith.constant 0 : i32
        %dma_start3A_195 = arith.constant 0 : i32
        %dma_start3A_196 = tpu.memref_slice %arg4[%add3A_183, %dma_start3A_194, %dma_start3A_195] : memref<12000000x1x3xf32, #tpu.memory_space<hbm>> -> memref<3000x1x3xf32, #tpu.memory_space<hbm>>
        %dma_start3A_197 = arith.constant 0 : i32
        %dma_start3A_198 = arith.constant 0 : i32
        %dma_start3A_199 = arith.constant 0 : i32
        %dma_start3A_200 = tpu.memref_slice %arg6[%rem3A_118, %dma_start3A_197, %dma_start3A_198, %dma_start3A_199] : memref<2x3000x1x16xf32, #tpu.memory_space<vmem>> -> memref<1x3000x1x3xf32, #tpu.memory_space<vmem>>
        %dma_start3A_201 = tpu.memref_squeeze %dma_start3A_200 : memref<1x3000x1x3xf32, #tpu.memory_space<vmem>> -> memref<3000x1x3xf32, #tpu.memory_space<vmem>>
        tpu.enqueue_dma source(%dma_start3A_201 : memref<3000x1x3xf32, #tpu.memory_space<vmem>>) target(%dma_start3A_196 : memref<3000x1x3xf32, #tpu.memory_space<hbm>>) target_semaphore(%dma_start3A_193 : memref<!tpu.dma_semaphore, #tpu.memory_space<semaphore_mem>>)
      } else {
      }
    }
    %scan3A_34 = arith.constant 125 : i32
    %dma_wait3A = arith.constant 0 : i32
    %dma_wait3A_35 = arith.constant 0 : i32
    %dma_wait3A_36 = arith.constant 0 : i32
    %dma_wait3A_37 = arith.constant 0 : i32
    %dma_wait3A_38 = arith.constant 0 : i32
    %dma_wait3A_39 = arith.constant 0 : i32
    %dma_wait3A_40 = tpu.memref_slice %arg6[%dma_wait3A_35, %dma_wait3A_37, %dma_wait3A_38, %dma_wait3A_39] : memref<2x3000x1x16xf32, #tpu.memory_space<vmem>> -> memref<1x3000x1x16xf32, #tpu.memory_space<vmem>>
    %dma_wait3A_41 = tpu.memref_squeeze %dma_wait3A_40 : memref<1x3000x1x16xf32, #tpu.memory_space<vmem>> -> memref<3000x1x16xf32, #tpu.memory_space<vmem>>
    %dma_wait3A_42 = arith.constant 0 : i32
    %dma_wait3A_43 = tpu.memref_slice %arg5[%dma_wait3A, %dma_wait3A_42] : memref<4x3000xi32, #tpu.memory_space<vmem>> -> memref<1x3000xi32, #tpu.memory_space<vmem>>
    %dma_wait3A_44 = tpu.memref_squeeze %dma_wait3A_43 : memref<1x3000xi32, #tpu.memory_space<vmem>> -> memref<3000xi32, #tpu.memory_space<vmem>>
    %dma_wait3A_45 = arith.constant 0 : i32
    %dma_wait3A_46 = arith.constant 0 : i32
    %dma_wait3A_47 = arith.constant 0 : i32
    %dma_wait3A_48 = tpu.memref_slice %arg2[%dma_wait3A_45, %dma_wait3A_46, %dma_wait3A_47] : memref<1000000x1x16xf32, #tpu.memory_space<hbm>> -> memref<1000000x1x16xf32, #tpu.memory_space<hbm>>
    %dma_wait3A_49 = tpu.memref_slice %arg8[%dma_wait3A_36] : memref<2x!tpu.dma_semaphore, #tpu.memory_space<semaphore_mem>> -> memref<1x!tpu.dma_semaphore, #tpu.memory_space<semaphore_mem>>
    %dma_wait3A_50 = tpu.memref_squeeze %dma_wait3A_49 : memref<1x!tpu.dma_semaphore, #tpu.memory_space<semaphore_mem>> -> memref<!tpu.dma_semaphore, #tpu.memory_space<semaphore_mem>>
    tpu.wait_indirect_dma semaphore(%dma_wait3A_50 : memref<!tpu.dma_semaphore, #tpu.memory_space<semaphore_mem>>) src(%dma_wait3A_48 : memref<1000000x1x16xf32, #tpu.memory_space<hbm>>) dst(%dma_wait3A_41 : memref<3000x1x16xf32, #tpu.memory_space<vmem>>)
    %add3A_51 = arith.constant 372000 : i32
    %add3A_52 = arith.addi %mul3A_2, %add3A_51 : i32
    %dma_start3A_53 = arith.constant 0 : i32
    %dma_start3A_54 = arith.constant 0 : i32
    %dma_start3A_55 = arith.constant 0 : i32
    %dma_start3A_56 = arith.constant 0 : i32
    %dma_start3A_57 = arith.constant 0 : i32
    %dma_start3A_58 = tpu.memref_slice %arg6[%dma_start3A_53, %dma_start3A_55, %dma_start3A_56, %dma_start3A_57] : memref<2x3000x1x16xf32, #tpu.memory_space<vmem>> -> memref<1x3000x1x3xf32, #tpu.memory_space<vmem>>
    %dma_start3A_59 = tpu.memref_squeeze %dma_start3A_58 : memref<1x3000x1x3xf32, #tpu.memory_space<vmem>> -> memref<3000x1x3xf32, #tpu.memory_space<vmem>>
    %dma_start3A_60 = arith.constant 0 : i32
    %dma_start3A_61 = arith.constant 0 : i32
    %dma_start3A_62 = tpu.memref_slice %arg4[%add3A_52, %dma_start3A_60, %dma_start3A_61] : memref<12000000x1x3xf32, #tpu.memory_space<hbm>> -> memref<3000x1x3xf32, #tpu.memory_space<hbm>>
    %dma_start3A_63 = tpu.memref_slice %arg9[%dma_start3A_54] : memref<2x!tpu.dma_semaphore, #tpu.memory_space<semaphore_mem>> -> memref<1x!tpu.dma_semaphore, #tpu.memory_space<semaphore_mem>>
    %dma_start3A_64 = tpu.memref_squeeze %dma_start3A_63 : memref<1x!tpu.dma_semaphore, #tpu.memory_space<semaphore_mem>> -> memref<!tpu.dma_semaphore, #tpu.memory_space<semaphore_mem>>
    %dma_start3A_65 = arith.constant 0 : i32
    %dma_start3A_66 = arith.constant 0 : i32
    %dma_start3A_67 = tpu.memref_slice %arg4[%add3A_52, %dma_start3A_65, %dma_start3A_66] : memref<12000000x1x3xf32, #tpu.memory_space<hbm>> -> memref<3000x1x3xf32, #tpu.memory_space<hbm>>
    %dma_start3A_68 = arith.constant 0 : i32
    %dma_start3A_69 = arith.constant 0 : i32
    %dma_start3A_70 = arith.constant 0 : i32
    %dma_start3A_71 = tpu.memref_slice %arg6[%dma_start3A_53, %dma_start3A_68, %dma_start3A_69, %dma_start3A_70] : memref<2x3000x1x16xf32, #tpu.memory_space<vmem>> -> memref<1x3000x1x3xf32, #tpu.memory_space<vmem>>
    %dma_start3A_72 = tpu.memref_squeeze %dma_start3A_71 : memref<1x3000x1x3xf32, #tpu.memory_space<vmem>> -> memref<3000x1x3xf32, #tpu.memory_space<vmem>>
    tpu.enqueue_dma source(%dma_start3A_72 : memref<3000x1x3xf32, #tpu.memory_space<vmem>>) target(%dma_start3A_67 : memref<3000x1x3xf32, #tpu.memory_space<hbm>>) target_semaphore(%dma_start3A_64 : memref<!tpu.dma_semaphore, #tpu.memory_space<semaphore_mem>>)
    %dma_wait3A_73 = arith.constant 1 : i32
    %dma_wait3A_74 = arith.constant 1 : i32
    %dma_wait3A_75 = arith.constant 0 : i32
    %dma_wait3A_76 = arith.constant 0 : i32
    %dma_wait3A_77 = arith.constant 0 : i32
    %dma_wait3A_78 = tpu.memref_slice %arg6[%dma_wait3A_73, %dma_wait3A_75, %dma_wait3A_76, %dma_wait3A_77] : memref<2x3000x1x16xf32, #tpu.memory_space<vmem>> -> memref<1x3000x1x3xf32, #tpu.memory_space<vmem>>
    %dma_wait3A_79 = tpu.memref_squeeze %dma_wait3A_78 : memref<1x3000x1x3xf32, #tpu.memory_space<vmem>> -> memref<3000x1x3xf32, #tpu.memory_space<vmem>>
    %dma_wait3A_80 = arith.constant 0 : i32
    %dma_wait3A_81 = arith.constant 0 : i32
    %dma_wait3A_82 = tpu.memref_slice %arg4[%mul3A_2, %dma_wait3A_80, %dma_wait3A_81] : memref<12000000x1x3xf32, #tpu.memory_space<hbm>> -> memref<3000x1x3xf32, #tpu.memory_space<hbm>>
    %dma_wait3A_83 = tpu.memref_slice %arg9[%dma_wait3A_74] : memref<2x!tpu.dma_semaphore, #tpu.memory_space<semaphore_mem>> -> memref<1x!tpu.dma_semaphore, #tpu.memory_space<semaphore_mem>>
    %dma_wait3A_84 = tpu.memref_squeeze %dma_wait3A_83 : memref<1x!tpu.dma_semaphore, #tpu.memory_space<semaphore_mem>> -> memref<!tpu.dma_semaphore, #tpu.memory_space<semaphore_mem>>
    %dma_wait3A_85 = arith.constant 0 : i32
    %dma_wait3A_86 = arith.constant 0 : i32
    %dma_wait3A_87 = tpu.memref_slice %arg4[%mul3A_2, %dma_wait3A_85, %dma_wait3A_86] : memref<12000000x1x3xf32, #tpu.memory_space<hbm>> -> memref<3000x1x3xf32, #tpu.memory_space<hbm>>
    %dma_wait3A_88 = arith.constant 0 : i32
    %dma_wait3A_89 = arith.constant 0 : i32
    %dma_wait3A_90 = arith.constant 0 : i32
    %dma_wait3A_91 = tpu.memref_slice %arg6[%dma_wait3A_73, %dma_wait3A_88, %dma_wait3A_89, %dma_wait3A_90] : memref<2x3000x1x16xf32, #tpu.memory_space<vmem>> -> memref<1x3000x1x3xf32, #tpu.memory_space<vmem>>
    %dma_wait3A_92 = tpu.memref_squeeze %dma_wait3A_91 : memref<1x3000x1x3xf32, #tpu.memory_space<vmem>> -> memref<3000x1x3xf32, #tpu.memory_space<vmem>>
    tpu.wait_dma2 semaphore(%dma_wait3A_84 : memref<!tpu.dma_semaphore, #tpu.memory_space<semaphore_mem>>) src(%dma_wait3A_92 : memref<3000x1x3xf32, #tpu.memory_space<vmem>>) dst(%dma_wait3A_87 : memref<3000x1x3xf32, #tpu.memory_space<hbm>>)
    %dma_wait3A_93 = arith.constant 0 : i32
    %dma_wait3A_94 = arith.constant 0 : i32
    %dma_wait3A_95 = arith.constant 0 : i32
    %dma_wait3A_96 = arith.constant 0 : i32
    %dma_wait3A_97 = arith.constant 0 : i32
    %dma_wait3A_98 = tpu.memref_slice %arg6[%dma_wait3A_93, %dma_wait3A_95, %dma_wait3A_96, %dma_wait3A_97] : memref<2x3000x1x16xf32, #tpu.memory_space<vmem>> -> memref<1x3000x1x3xf32, #tpu.memory_space<vmem>>
    %dma_wait3A_99 = tpu.memref_squeeze %dma_wait3A_98 : memref<1x3000x1x3xf32, #tpu.memory_space<vmem>> -> memref<3000x1x3xf32, #tpu.memory_space<vmem>>
    %dma_wait3A_100 = arith.constant 0 : i32
    %dma_wait3A_101 = arith.constant 0 : i32
    %dma_wait3A_102 = tpu.memref_slice %arg4[%mul3A_2, %dma_wait3A_100, %dma_wait3A_101] : memref<12000000x1x3xf32, #tpu.memory_space<hbm>> -> memref<3000x1x3xf32, #tpu.memory_space<hbm>>
    %dma_wait3A_103 = tpu.memref_slice %arg9[%dma_wait3A_94] : memref<2x!tpu.dma_semaphore, #tpu.memory_space<semaphore_mem>> -> memref<1x!tpu.dma_semaphore, #tpu.memory_space<semaphore_mem>>
    %dma_wait3A_104 = tpu.memref_squeeze %dma_wait3A_103 : memref<1x!tpu.dma_semaphore, #tpu.memory_space<semaphore_mem>> -> memref<!tpu.dma_semaphore, #tpu.memory_space<semaphore_mem>>
    %dma_wait3A_105 = arith.constant 0 : i32
    %dma_wait3A_106 = arith.constant 0 : i32
    %dma_wait3A_107 = tpu.memref_slice %arg4[%mul3A_2, %dma_wait3A_105, %dma_wait3A_106] : memref<12000000x1x3xf32, #tpu.memory_space<hbm>> -> memref<3000x1x3xf32, #tpu.memory_space<hbm>>
    %dma_wait3A_108 = arith.constant 0 : i32
    %dma_wait3A_109 = arith.constant 0 : i32
    %dma_wait3A_110 = arith.constant 0 : i32
    %dma_wait3A_111 = tpu.memref_slice %arg6[%dma_wait3A_93, %dma_wait3A_108, %dma_wait3A_109, %dma_wait3A_110] : memref<2x3000x1x16xf32, #tpu.memory_space<vmem>> -> memref<1x3000x1x3xf32, #tpu.memory_space<vmem>>
    %dma_wait3A_112 = tpu.memref_squeeze %dma_wait3A_111 : memref<1x3000x1x3xf32, #tpu.memory_space<vmem>> -> memref<3000x1x3xf32, #tpu.memory_space<vmem>>
    tpu.wait_dma2 semaphore(%dma_wait3A_104 : memref<!tpu.dma_semaphore, #tpu.memory_space<semaphore_mem>>) src(%dma_wait3A_112 : memref<3000x1x3xf32, #tpu.memory_space<vmem>>) dst(%dma_wait3A_107 : memref<3000x1x3xf32, #tpu.memory_space<hbm>>)
    return
  }
}

</mosaic_0001>

<sc_bundles>
// kernel: kernel.3.cloned.1.call-start
scs
__scs_entry_jumppad:
0x0: {  	(pc) =	sbr.rel $0x88, $3  }
0x1: {  	(tag) =	ssettag $0x0;
	lr =	simm.s32 $0x1  }
0x2: {  	[smem:$0x3F9F] =	sst lr;
	_ =	strace $0xD0000000  }
0x3: {  	_ = 	snop  }
0x4: {  	_ = 	snop  }
0x5: {  	_ = 	snop  }
0x6: {  	_ = 	snop  }
0x7: {  	_ = 	snop  }
__scs_overlays_trampoline_lowered:
0x8: {  	[smem:$0x3FAE] =	sst s0  }
0x9: {  	[smem:$0x3FAF] =	sst s1  }
0xa: {  	[smem:$0x3FB0] =	sst s2  }
0xb: {  	[smem:$0x3FB1] =	sst s3  }
0xc: {  	[smem:$0x3FB2] =	sst s4  }
0xd: {  	[smem:$0x3FB3] =	sst s5  }
0xe: {  	[smem:$0x3FB4] =	sst s6  }
0xf: {  	[smem:$0x3FB5] =	sst s7  }
0x10: {  	[smem:$0x3FB6] =	sst s8  }
0x11: {  	[smem:$0x3FB7] =	sst s9;
	s0 =	simm.s32 @!p0 $0x0  }
0x12: {  	s1 =	sld [smem:$0x3F9D];
	s0 =	simm.s32 @p0 $0x1  }
0x13: {  	[smem:$0x3FB8] =	sst s0;
	s0 =	simm.s32 @!p1 $0x0  }
0x14: {  	s2 =	sld [smem:$0x3F9C];
	s0 =	simm.s32 @p1 $0x1  }
0x15: {  	[smem:$0x3FB9] =	sst s0;
	s0 =	simm.s32 @!p2 $0x0  }
0x16: {  	s3 =	sld [smem:$0x3FDB];
	s0 =	simm.s32 @p2 $0x1  }
0x17: {  	s4 =	simm.s32 $0x1BF5;
	[smem:$0x3FBB] =	sst s0  }
0x18: {  	s0 =	sld [smem:$0x3F9E];
	_ =	swait.ge [sflag:s4], $0x0  }
0x19: {  	s7 =	sld [smem:$0x3F9F]  }
0x1a: {  	s8 =	sadd.s32 $0xFFFFE003, lr  }
0x1b: {  	s9 =	sadd.s32 $0xFFFFFEF7, lr;
	s5 =	simm.s32 $0xFFFFFFFF;
	p2 =	slt.u32 s8, $0xFFFFF086  }
0x1c: {  	p1 =	slt.u32 s9, $0xF7A;
	s5 =	simm.s32 @!p2 $0x0  }
0x1d: {  	s5 =	simm.s32 @p1 $0x1;
	p0 =	seq.s32 s7, s2  }
0x1e: {  	s7 =	smul.u32 @!p0 $0xF7A, s2;
	p2 =	seq.s32 @!p0 s5, $0x0  }
0x1f: {  	s9 =	smul.u32 $0xF7A, s1;
	s8 =	simm.s32 @!p0 $0x1BF5;
	p2 =	por !p2, p0  }
0x20: {  	[sflag:s8] =	ssyncset.s32 @!p0 $0xFFFFF086;
	s6 =	sadd.s32 @!p0 s3, s7;
	s7 =	simm.s32 @!p0 $0x108  }
0x21: {  	s3 =	sadd.s32 s3, s9;
	s6 =	sadd.s32 @!p0 $0x88, s6;
	s7 =	simm.s32 @p2 $0x1082  }
0x22: {  	[simem:s7], [sflag:s8] =	dma.local @!p0 [hbm:s6], $0xF7A  }
0x23: {  	s9 =	sor.u32 $0xD0000000, s2;
	s6 =	simm.s32 $0x108;
	_ =	swait.ge @!p0 [sflag:s8], $0x0  }
0x24: {  	s3 =	sadd.s32 $0x88, s3;
	s6 =	simm.s32 @!p1 $0x1082;
	[sflag:s4] =	ssyncset.s32 $0xFFFFF086  }
0x25: {  	[simem:s6], [sflag:s4] =	dma.local [hbm:s3], $0xF7A  }
0x26: {  	[smem:$0x3F9F] =	sst s1;
	(tag) =	ssettag s2;
	_ =	strace s9  }
0x27: {  	s1 =	sld [smem:$0x3FAF]  }
0x28: {  	s2 =	sld [smem:$0x3FB0]  }
0x29: {  	s4 =	sld [smem:$0x3FB2]  }
0x2a: {  	p0 =	seq.s32 s5, $0x0;
	s5 =	sld [smem:$0x3FB3]  }
0x2b: {  	s6 =	sld [smem:$0x3FB4]  }
0x2c: {  	s7 =	sld [smem:$0x3FB5]  }
0x2d: {  	s3 =	simm.s32 $0x108;
	s8 =	sld [smem:$0x3FB6]  }
0x2e: {  	s3 =	simm.s32 @!p0 $0x1082;
	s9 =	sld [smem:$0x3FB7]  }
0x2f: {  	lr =	sadd.s32 s0, s3;
	s0 =	sld [smem:$0x3FAE]  }
0x30: {  	s3 =	sld [smem:$0x3FB1]  }
0x31: {  	[smem:$0x3FBA] =	sst s10  }
0x32: {  	s10 =	sld [smem:$0x3FB8];
	_ =	sdelay $0x3  }
0x33: {  	p0 =	seq.s32 s10, $0x1;
	s10 =	sld [smem:$0x3FBA];
	_ =	sdelay $0x3  }
0x34: {  	[smem:$0x3FBA] =	sst s10  }
0x35: {  	s10 =	sld [smem:$0x3FB9];
	_ =	sdelay $0x3  }
0x36: {  	p1 =	seq.s32 s10, $0x1;
	s10 =	sld [smem:$0x3FBA];
	_ =	sdelay $0x3  }
0x37: {  	[smem:$0x3FBA] =	sst s10  }
0x38: {  	s10 =	sld [smem:$0x3FBB]  }
0x39: {  	_ = 	snop;
	(pc) =	sbr.ind lr, $3  }
0x3a: {  	_ = 	snop  }
0x3b: {  	_ = 	snop  }
0x3c: {  	p2 =	seq.s32 s10, $0x1;
	s10 =	sld [smem:$0x3FBA]  }
0x3d: {  	_ =	shalt  }
0x3e: {  	_ =	shalt  }
0x3f: {  	_ =	shalt  }
0x40: {  	_ =	shalt  }
0x41: {  	_ =	shalt  }
0x42: {  	_ =	shalt  }
0x43: {  	_ =	shalt  }
0x44: {  	_ =	shalt  }
0x45: {  	_ =	shalt  }
0x46: {  	_ =	shalt  }
0x47: {  	_ =	shalt  }
0x48: {  	_ =	shalt  }
0x49: {  	_ =	shalt  }
0x4a: {  	_ =	shalt  }
0x4b: {  	_ =	shalt  }
0x4c: {  	_ =	shalt  }
0x4d: {  	_ =	shalt  }
0x4e: {  	_ =	shalt  }
0x4f: {  	_ =	shalt  }
0x50: {  	_ =	shalt  }
0x51: {  	_ =	shalt  }
0x52: {  	_ =	shalt  }
0x53: {  	_ =	shalt  }
0x54: {  	_ =	shalt  }
0x55: {  	_ =	shalt  }
0x56: {  	_ =	shalt  }
0x57: {  	_ =	shalt  }
0x58: {  	_ =	shalt  }
0x59: {  	_ =	shalt  }
0x5a: {  	_ =	shalt  }
0x5b: {  	_ =	shalt  }
0x5c: {  	_ =	shalt  }
0x5d: {  	_ =	shalt  }
0x5e: {  	_ =	shalt  }
0x5f: {  	_ =	shalt  }
0x60: {  	_ =	shalt  }
0x61: {  	_ =	shalt  }
0x62: {  	_ =	shalt  }
0x63: {  	_ =	shalt  }
0x64: {  	_ =	shalt  }
0x65: {  	_ =	shalt  }
0x66: {  	_ =	shalt  }
0x67: {  	_ =	shalt  }
0x68: {  	_ =	shalt  }
0x69: {  	_ =	shalt  }
0x6a: {  	_ =	shalt  }
0x6b: {  	_ =	shalt  }
0x6c: {  	_ =	shalt  }
0x6d: {  	_ =	shalt  }
0x6e: {  	_ =	shalt  }
0x6f: {  	_ =	shalt  }
0x70: {  	_ =	shalt  }
0x71: {  	_ =	shalt  }
0x72: {  	_ =	shalt  }
0x73: {  	_ =	shalt  }
0x74: {  	_ =	shalt  }
0x75: {  	_ =	shalt  }
0x76: {  	_ =	shalt  }
0x77: {  	_ =	shalt  }
0x78: {  	_ =	shalt  }
0x79: {  	_ =	shalt  }
0x7a: {  	_ =	shalt  }
0x7b: {  	_ =	shalt  }
0x7c: {  	_ =	shalt  }
0x7d: {  	_ =	shalt  }
0x7e: {  	_ =	shalt  }
0x7f: {  	_ =	shalt  }
0x80: {  	_ =	shalt  }
0x81: {  	_ =	shalt  }
0x82: {  	_ =	shalt  }
0x83: {  	_ =	shalt  }
0x84: {  	_ =	shalt  }
0x85: {  	_ =	shalt  }
0x86: {  	_ =	shalt  }
0x87: {  	_ =	shalt  }
.Lfunc_end0:
.L_simem_size_0:
called_computation.2_lowered:
.L_overlay_start_0:
0x88: {  	s2 =	sld [smem:$0x3FD9]  }
0x89: {  	s3 =	sld [smem:$0x3FFE];
	_ =	sdelay $0x1  }
0x8a: {  	s1 =	srdreg.scid  }
0x8b: {  	s0 =	sand.u32 $0x1, s1  }
0x8c: {  	s17 =	sshll.u32 s0, $0xA;
	s2 =	sadd.s32 s3, s2  }
0x8d: {  	s2 =	sadd.s32 s2, s17  }
0x8e: {  	[smem:$0x3FC6] =	sst s2  }
0x8f: {  	_ = 	snop  }
0x90: {  	s2 =	sld [smem:$0x3FD0];
	(tm) =	ssettm $0x1  }
0x91: {  	s18 =	sld [smem:$0x3FFB];
	_ =	sdelay $0x3  }
0x92: {  	_ =	strace s18  }
0x93: {  	s3 =	sld [smem:$0x3FFC];
	_ =	sdelay $0x3  }
0x94: {  	_ =	strace s3  }
0x95: {  	s3 =	sld [smem:$0x3FFD];
	_ =	sdelay $0x3  }
0x96: {  	_ =	strace s3  }
0x97: {  	_ =	strace $0x8FFFFFFF  }
0x98: {  	s19 =	sld [smem:$0x3FDB];
	_ =	sdelay $0x1  }
0x99: {  	s4 =	simm.s32 $_scs_section_size  }
0x9a: {  	s5 =	simm.s32 $_size__tile_overlayer_lowered;
	s6 =	simm.s32 $_tile_overlayer_lowered  }
0x9b: {  	s22 =	simm.s32 $0x1BFF;
	s21 =	sshll.u32 s6, $0x1;
	s3 =	sadd.s32 s4, s19  }
0x9c: {  	s7 =	simm.s32 $0x0;
	s20 =	sshll.u32 s5, $0x1;
	s5 =	sadd.s32 s21, s3  }
0x9d: {  	[timem:s7], [sflag:s22] =	dma.local [hbm:s5], s20  }
0x9e: {  	_ =	swait.ge [sflag:s22], s20  }
0x9f: {  	s4 =	ssub.s32 $0x0, s20;
	[sflag:s22] =	ssyncset.done $0x0  }
0xa0: {  	[sflag:s22] =	ssyncadd.s32 s4;
	_ =	sdelay $0x1  }
0xa1: {  	s23 =	simm.s32 $0x1B8B  }
0xa2: {  	_ =	swait.ge [sflag:s23], $0x1  }
0xa3: {  	[sflag:s23] =	ssyncset.done $0x0  }
0xa4: {  	s25 =	simm.s32 $0x1B8E;
	s24 =	sld [smem:$0x3FFE];
	[sflag:s23] =	ssyncadd.s32 $0xFFFFFFFF  }
0xa5: {  	s26 =	simm.s32 $execute0_lowered;
	[smem:$0x3FD2] =	sst s25  }
0xa6: {  	s5 =	sshll.u32 s26, $0x1;
	_ =	strace $0x80000046;
	[dreg:$0x1] =	wrdreg $0xFFFFFFFF  }
0xa7: {  	s28 =	simm.s32 $_size_execute0_lowered;
	s3 =	sadd.s32 s3, s5;
	[dreg:$0x0] =	wrdreg $0x0  }
0xa8: {  	s5 =	sshll.u32 s28, $0x1;
	[dreg:$0x2] =	wrdreg s3  }
0xa9: {  	[dreg:$0x3] =	wrdreg s5  }
0xaa: {  	[dreg:$0x4] =	wrdreg $0xC0  }
0xab: {  	_ =	task [dreg:s7], $0x5FFFF  }
0xac: {  	[dreg:$0x1] =	wrdreg $0xFFFFFFFF  }
0xad: {  	[dreg:$0x0] =	wrdreg $0x60  }
0xae: {  	[dreg:$0x2] =	wrdreg s2  }
0xaf: {  	[dreg:$0x3] =	wrdreg s24  }
0xb0: {  	[dreg:$0x4] =	wrdreg $0x9  }
0xb1: {  	_ =	task.clear_ibuf [dreg:s7], $0x5FFFF;
	_ =	strace $0x90000046  }
0xb2: {  	s29 =	simm.s32 $0x9;
	_ =	strace $0x80000048  }
0xb3: {  	_ =	swait.ge [sflag:s29], $0x1  }
0xb4: {  	[sflag:s29] =	ssyncadd.s32 $0xFFFFFFFF  }
0xb5: {  	_ =	strace $0x90000048  }
0xb6: {  	_ =	sfence  }
0xb7: {  	s30 =	sld [smem:$0x0];
	_ =	sdelay $0x2  }
0xb8: {  	s31 =	sshll.u32 s1, $0xD;
	s1 =	sshrl.u32 s1, $0x2  }
0xb9: {  	s3 =	sand.u32 $0x4000, s31;
	s1 =	sadd.s32 s1, s30  }
0xba: {  	s0 =	sor.u32 s3, s0;
	s1 =	sshll.u32 s1, $0x11  }
0xbb: {  	s0 =	sor.u32 s1, s0  }
0xbc: {  	s0 =	sadd.s32 $0x8F2B, s0  }
0xbd: {  	[sflag:s0] =	ssyncadd.remote.s32 $0x1  }
0xbe: {  	_ =	sfence.sel $0xFFFF  }
0xbf: {  	[dreg:$0x0] =	wrdreg $0xFFFFFFFF;
	(pc) =	sbr.abs _section_cstart, $3  }
0xc0: {  	[dreg:$0x1] =	wrdreg $0xFFFFFFFF  }
0xc1: {  	_ =	task.clear_ibuf [dreg:s7], $0x2FFFF;
	_ =	strace $0x9FFFFFFF  }
0xc2: {  	(tm) =	ssettm $0x7FFFFFFF  }
0xc3: {  	_ =	shalt  }
tec
execute0_lowered:
.L_overlay_start_1:
0x0: {  	(tag) =	ssettag $0x1  }
0x1: {  	s2 =	rddreg [dreg:$0x0]  }
0x2: {  	s1 =	srdreg.scid;
	s0 =	stileid.u32  }
0x3: {  	s6 =	rddreg [dreg:$0x1];
	s3 =	simm.s32 $0x0;
	s12 =	simm.s32 $0xBB8  }
0x4: {  	s13 =	simm.s32 $0x5;
	s14 =	simm.s32 $0x8;
	s15 =	simm.s32 $0x7  }
0x5: {  	s4 =	sand.u32 $0x1, s1;
	s5 =	sshll.u32 s0, $0x1;
	s1 =	rddreg [dreg:$0x2]  }
0x6: {  	s16 =	simm.s32 $0x0;
	[smem:$0x7FF] =	sst s3;
	s5 =	sor.u32 s4, s5  }
0x7: {  	s7 =	ssub.s32 $0x2, s4;
	_ =	strace $0x80000047;
	s4 =	smul.u32 $0x5B8D8, s5  }
0x8: {  	s8 =	sshrl.u32 s7, $0x1;
	s9 =	smul.u32 $0x2DC6C0, s5;
	s5 =	sadd.s32 $0x3D09600, s6  }
0x9: {  	s6 =	sadd.s32 $0x600, s6;
	s11 =	ssub.s32 s7, s8;
	s30 =	sshrl.u32 s4, $0x3  }
0xa: {  	s31 =	sadd.s32 $0xBB8, s4;
	s9 =	sshrl.u32 s9, $0x3;
	s11 =	smax.u32 s11, $0x1  }
0xb: {  	s7 =	sadd.s32 s5, s30;
	s8 =	sshrl.u32 s31, $0x3;
	s10 =	sadd.s32 s6, s9  }
0xc: {  	s9 =	sadd.s32 $0x1FFFF448, s4;
	s8 =	sadd.s32 s5, s8;
	s10 =	sadd.s32 $0x5AD20, s10  }
.LBB2_1:
.Ltmp0:
0xd: {  	(pc) =	sbr.rel .LBB2_2-.Ltmp0, $4  }
0xe: {  	_ = 	snop  }
0xf: {  	[tilespmem:s3], [sflag:$0x1] =	stream.linear.gather [hbm4b:s7+s3], $0xBB8, $0x38;
	[tilespmem:$0x1A5E0] =	vst v63  }
0x10: {  	p0 =	por $0x1, $0x1;
	s17 =	simm.s32 $0x0  }
0x11: {  	[tilespmem:s12], [sflag:$0x2] =	stream.linear.gather [hbm4b:s8+s3], $0xBB8, $0x38;
	[tilespmem:$0x1A5E0] =	vst v63  }
.LBB2_6:
0x12: {  	p1 =	sne.s32 s18, $0x7D  }
.Ltmp1:
0x13: {  	_ = 	snop;
	(pc) =	sbr.rel @!p1 .LBB2_7-.Ltmp1, $2  }
0x14: {  	_ =	sdelay $0x2  }
0x15: {  	p0 =	por !p0, !p0;
	s17 =	smov.u32 s18  }
.LBB2_2:
0x16: {  	p1 =	sgt.u32 s17, $0x7A  }
0x17: {  	s18 =	sadd.s32 @!p1 $0x2, s17  }
0x18: {  	s19 =	sand.u32 @!p1 $0x3, s18;
	s18 =	smul.u32 @!p1 $0xBB8, s18;
	_ =	sdelay $0x1  }
0x19: {  	s20 =	smul.u32 @!p1 $0x2EE0, s19;
	s18 =	sadd.s32 @!p1 s4, s18  }
0x1a: {  	s21 =	simm.s32 @!p1 $0x0;
	p2 =	slt.u32 @!p1 s17, $0x2;
	s18 =	sshrl.u32 @!p1 s18, $0x3  }
0x1b: {  	s19 =	sadd.s32 @!p1 $0x1, s19;
	s20 =	sshrl.u32 @!p1 s20, $0x2;
	s18 =	sadd.s32 @!p1 s5, s18  }
0x1c: {  	[tilespmem:s20], [sflag:s19] =	stream.linear.gather @!p1 [hbm4b:s18+s21], $0xBB8, $0x38;
	[tilespmem:$0x1A5E0] =	vst v63  }
0x1d: {  	p1 =	por p1, !p2;
	s18 =	sand.u32 $0x1, s17  }
0x1e: {  	s28 =	sand.u32 $0x3, s17;
	s19 =	sadd.s32 @p1 $0x7, s18  }
0x1f: {  	s29 =	smul.u32 $0x2EE0, s28;
	_ =	swait.ge @p1 [sflag:s19], $0x2328  }
0x20: {  	s30 =	smul.u32 $0x2EE00, s18;
	[sflag:s19] =	ssyncset.done @p1 $0x0  }
0x21: {  	[sflag:s19] =	ssyncadd.s32 @p1 $0xFFFFDCD8;
	s19 =	sadd.s32 $0x1, s28;
	p1 =	seq.s32 s17, $0x0  }
.Ltmp2:
0x22: {  	_ =	swait.ge [sflag:s19], $0xBB8;
	(pc) =	sbr.rel @p1 .LBB2_6-.Ltmp2, $4  }
0x23: {  	s20 =	sshrl.u32 s29, $0x2;
	s21 =	sshrl.u32 s30, $0x2;
	[sflag:s19] =	ssyncset.done $0x0  }
0x24: {  	s18 =	sadd.s32 $0x5, s18;
	s31 =	sadd.s32 $0x2EE0, s21;
	[sflag:s19] =	ssyncadd.s32 $0xFFFFF448  }
0x25: {  	[tilespmem:s31], [sflag:s18] =	stream.indirect.gather [hbm4b:s2+s12], $0x10, s20, s12, $0xb8;
	[tilespmem:$0x1A5E0] =	vst v63  }
0x26: {  	s18 =	sadd.s32 $0x1, s17  }
0x27: {  	s19 =	simm.s32 $0x1;
	s20 =	sand.u32 $0x1, s18  }
0x28: {  	s17 =	smul.u32 $0xBB8, s17;
	s19 =	simm.s32 @!p0 $0x0;
	s21 =	sadd.s32 $0x5, s20  }
0x29: {  	s19 =	smul.u32 $0x2EE00, s19;
	_ =	swait.ge [sflag:s21], $0xBB80  }
0x2a: {  	s22 =	sadd.s32 s17, s9;
	[sflag:s21] =	ssyncset.done $0x0  }
0x2b: {  	s22 =	sand.u32 $0x1FFFFFF8, s22;
	s19 =	sshrl.u32 s19, $0x2;
	[sflag:s21] =	ssyncadd.s32 $0xFFFF4480  }
0x2c: {  	s17 =	sadd.s32 $0x2EE0, s19;
	s19 =	sadd.s32 $0x7, s20;
	s20 =	sadd.s32 s6, s22  }
0x2d: {  	s21 =	simm.s32 $0x1;
	s23 =	sadd.s32 $0x0, s20;
	s22 =	sadd.s32 $0x10, s17  }
.LBB2_4:
0x2e: {  	[hbm4b:s23+s3] =	stream.linear.scatter [tilespmem:s17], [sflag:s19], $0x3, $0x38;
	[tilespmem:$0x1A5E0] =	vst v63  }
0x2f: {  	s23 =	smov.u32 s21;
	s17 =	smov.u32 s22;
	p1 =	sne.s32 s21, $0xBB7  }
.Ltmp3:
0x30: {  	s21 =	sadd.s32 $0x1, s21;
	(pc) =	sbr.rel @p1 .LBB2_4-.Ltmp3, $2  }
0x31: {  	_ =	sdelay $0x2  }
0x32: {  	s22 =	sadd.s32 $0x10, s22;
	s23 =	sadd.s32 s23, s20  }
.Ltmp4:
0x33: {  	(pc) =	sbr.rel .LBB2_6-.Ltmp4, $2  }
0x34: {  	_ =	sdelay $0x2  }
0x35: {  	[hbm4b:s23+s3] =	stream.linear.scatter [tilespmem:s17], [sflag:s19], $0x3, $0x38;
	[tilespmem:$0x1A5E0] =	vst v63  }
.LBB2_7:
0x36: {  	_ =	swait.ge [sflag:s13], $0xBB80  }
0x37: {  	s17 =	simm.s32 $0x2EE0;
	s18 =	simm.s32 $0x1;
	[sflag:s13] =	ssyncset.done $0x0  }
0x38: {  	s20 =	sadd.s32 $0x0, s10;
	s19 =	simm.s32 $0x2EF0;
	[sflag:s13] =	ssyncadd.s32 $0xFFFF4480  }
.LBB2_8:
0x39: {  	[hbm4b:s20+s3] =	stream.linear.scatter [tilespmem:s17], [sflag:$0x7], $0x3, $0x38;
	[tilespmem:$0x1A5E0] =	vst v63  }
0x3a: {  	s20 =	smov.u32 s18;
	s17 =	smov.u32 s19;
	p0 =	sne.s32 s18, $0xBB7  }
.Ltmp5:
0x3b: {  	s18 =	sadd.s32 $0x1, s18;
	(pc) =	sbr.rel @p0 .LBB2_8-.Ltmp5, $2  }
0x3c: {  	_ =	sdelay $0x2  }
0x3d: {  	s19 =	sadd.s32 $0x10, s19;
	s20 =	sadd.s32 s20, s10  }
0x3e: {  	[hbm4b:s20+s3] =	stream.linear.scatter [tilespmem:s17], [sflag:$0x7], $0x3, $0x38;
	[tilespmem:$0x1A5E0] =	vst v63  }
0x3f: {  	s16 =	sadd.s32 $0x1, s16  }
0x40: {  	_ =	swait.ge [sflag:s14], $0x2328;
	p0 =	sne.s32 s16, s11  }
.Ltmp6:
0x41: {  	[sflag:s14] =	ssyncset.done $0x0;
	(pc) =	sbr.rel @p0 .LBB2_1-.Ltmp6, $4  }
0x42: {  	[sflag:s14] =	ssyncadd.s32 $0xFFFFDCD8  }
0x43: {  	_ =	swait.ge [sflag:s15], $0x2328  }
0x44: {  	[sflag:s15] =	ssyncset.done $0x0  }
0x45: {  	[sflag:s15] =	ssyncadd.s32 $0xFFFFDCD8  }
0x46: {  	_ =	sfence.sel $0x180000  }
0x47: {  	[bflag:$0x0] =	sbarrier.arrive $0xFFFF  }
0x48: {  	p0 =	sne.s32 s0, $0x0;
	_ =	strace $0x90000047  }
0x49: {  	s0 =	sadd.s32 @!p0 $0x100000, s1;
	[bflag:$0x2] =	sbarrier.arrive $0xFFFF  }
0x4a: {  	[sflag:s0] =	ssyncadd.tile.s32 @!p0 $0x1;
	_ =	shalt  }
.Lfunc_end2:
_tile_overlayer_lowered:
.L_overlay_start_2:
0x4b: {  	(tag) =	ssettag $0x2  }
0x4c: {  	s0 =	rddreg [dreg:$0x0];
	s2 =	stileid.u32  }
0x4d: {  	s1 =	rddreg [dreg:$0x1];
	p0 =	sne.s32 s2, $0x0  }
0x4e: {  	s3 =	rddreg [dreg:$0x2];
	[bflag:$0x3] =	sbarrier.arrive $0xFFFF;
	s2 =	simm.s32 @!p0 $0x1C09  }
0x4f: {  	[timem:s3], [sflag:s2] =	dma.local @!p0 [hbm:s0], s1  }
0x50: {  	s0 =	simm.s32 @!p0 $0x9  }
0x51: {  	_ =	swait.ge @!p0 [sflag:s0], s1  }
0x52: {  	s1 =	ssub.s32 @!p0 $0x0, s1;
	[sflag:s0] =	ssyncset.done @!p0 $0x0  }
0x53: {  	[sflag:s0] =	ssyncadd.s32 @!p0 s1  }
0x54: {  	[bflag:$0x3] =	sbarrier.arrive $0xFFFF  }
0x55: {  	_ =	shalt  }

// kernel: sparse-core-data-format-call.1.cloned.1.call-start
scs
called_computation.1_lowered:
.L_overlay_start_0:
0x0: {  	s2 =	sld [smem:$0x3FD9]  }
0x1: {  	s3 =	sld [smem:$0x3FFE];
	_ =	sdelay $0x1  }
0x2: {  	s1 =	srdreg.scid  }
0x3: {  	s0 =	sand.u32 $0x1, s1  }
0x4: {  	s18 =	sshll.u32 s0, $0xA;
	s2 =	sadd.s32 s3, s2  }
0x5: {  	s2 =	sadd.s32 s2, s18  }
0x6: {  	[smem:$0x3FC6] =	sst s2  }
0x7: {  	_ = 	snop  }
0x8: {  	s2 =	sld [smem:$0x3FD0];
	(tm) =	ssettm $0x1  }
0x9: {  	s19 =	sld [smem:$0x3FFB];
	_ =	sdelay $0x3  }
0xa: {  	_ =	strace s19  }
0xb: {  	s3 =	sld [smem:$0x3FFC];
	_ =	sdelay $0x3  }
0xc: {  	_ =	strace s3  }
0xd: {  	s3 =	sld [smem:$0x3FFD];
	_ =	sdelay $0x3  }
0xe: {  	_ =	strace s3  }
0xf: {  	_ =	strace $0x8FFFFFFF  }
0x10: {  	s20 =	sld [smem:$0x3FDB];
	_ =	sdelay $0x1  }
0x11: {  	s4 =	simm.s32 $_scs_section_size  }
0x12: {  	s5 =	simm.s32 $_size__tile_overlayer_lowered;
	s6 =	simm.s32 $_tile_overlayer_lowered  }
0x13: {  	s23 =	simm.s32 $0x1BFF;
	s22 =	sshll.u32 s6, $0x1;
	s3 =	sadd.s32 s4, s20  }
0x14: {  	s7 =	simm.s32 $0x0;
	s21 =	sshll.u32 s5, $0x1;
	s5 =	sadd.s32 s22, s3  }
0x15: {  	[timem:s7], [sflag:s23] =	dma.local [hbm:s5], s21  }
0x16: {  	_ =	swait.ge [sflag:s23], s21  }
0x17: {  	s4 =	ssub.s32 $0x0, s21;
	[sflag:s23] =	ssyncset.done $0x0  }
0x18: {  	[sflag:s23] =	ssyncadd.s32 s4;
	_ =	sdelay $0x1  }
0x19: {  	s24 =	simm.s32 $0x1B8B  }
0x1a: {  	_ =	swait.ge [sflag:s24], $0x1  }
0x1b: {  	[sflag:s24] =	ssyncset.done $0x0  }
0x1c: {  	s26 =	simm.s32 $0x1B8E;
	s25 =	sld [smem:$0x3FFE];
	[sflag:s24] =	ssyncadd.s32 $0xFFFFFFFF  }
0x1d: {  	s27 =	simm.s32 $execute0_lowered;
	[smem:$0x3FD2] =	sst s26  }
0x1e: {  	s5 =	sshll.u32 s27, $0x1;
	_ =	strace $0x80000049;
	[dreg:$0x1] =	wrdreg $0xFFFFFFFF  }
0x1f: {  	s28 =	simm.s32 $_size_execute0_lowered;
	s3 =	sadd.s32 s3, s5;
	[dreg:$0x0] =	wrdreg $0x0  }
0x20: {  	s5 =	sshll.u32 s28, $0x1;
	[dreg:$0x2] =	wrdreg s3  }
0x21: {  	[dreg:$0x3] =	wrdreg s5  }
0x22: {  	[dreg:$0x4] =	wrdreg $0xC0  }
0x23: {  	_ =	task [dreg:s7], $0x5FFFF  }
0x24: {  	[dreg:$0x1] =	wrdreg $0xFFFFFFFF  }
0x25: {  	[dreg:$0x0] =	wrdreg $0x60  }
0x26: {  	[dreg:$0x2] =	wrdreg s25  }
0x27: {  	[dreg:$0x3] =	wrdreg s2  }
0x28: {  	[dreg:$0x4] =	wrdreg $0x9  }
0x29: {  	_ =	task.clear_ibuf [dreg:s7], $0x5FFFF;
	_ =	strace $0x90000049  }
0x2a: {  	s29 =	simm.s32 $0x9;
	_ =	strace $0x8000004B  }
0x2b: {  	_ =	swait.ge [sflag:s29], $0x1  }
0x2c: {  	[sflag:s29] =	ssyncadd.s32 $0xFFFFFFFF  }
0x2d: {  	_ =	strace $0x9000004B  }
0x2e: {  	_ =	sfence  }
0x2f: {  	s30 =	sld [smem:$0x0];
	_ =	sdelay $0x2  }
0x30: {  	s31 =	sshll.u32 s1, $0xD;
	s1 =	sshrl.u32 s1, $0x2  }
0x31: {  	s3 =	sand.u32 $0x4000, s31;
	s1 =	sadd.s32 s1, s30  }
0x32: {  	s0 =	sor.u32 s3, s0;
	s1 =	sshll.u32 s1, $0x11  }
0x33: {  	s0 =	sor.u32 s1, s0  }
0x34: {  	s0 =	sadd.s32 $0x8F2B, s0  }
0x35: {  	[sflag:s0] =	ssyncadd.remote.s32 $0x1  }
0x36: {  	_ =	sfence.sel $0xFFFF  }
0x37: {  	[dreg:$0x0] =	wrdreg $0xFFFFFFFF;
	(pc) =	sbr.abs _section_cstart, $3  }
0x38: {  	[dreg:$0x1] =	wrdreg $0xFFFFFFFF  }
0x39: {  	_ =	task.clear_ibuf [dreg:s7], $0x2FFFF;
	_ =	strace $0x9FFFFFFF  }
0x3a: {  	(tm) =	ssettm $0x7FFFFFFF  }
0x3b: {  	_ =	shalt  }
tec
execute0_lowered:
.L_overlay_start_1:
0x0: {  	(tag) =	ssettag $0x1  }
0x1: {  	s0 =	srdreg.scid  }
0x2: {  	s5 =	rddreg [dreg:$0x0];
	s1 =	sshll.u32 s0, $0x4  }
0x3: {  	s2 =	rddreg [dreg:$0x1];
	s0 =	stileid.u32;
	s1 =	sand.u32 $0x10, s1  }
0x4: {  	s4 =	simm.s32 $0x1;
	s8 =	simm.s32 $0x2;
	s1 =	sor.u32 s0, s1  }
0x5: {  	s12 =	simm.s32 $0x0;
	s9 =	simm.s32 $0x0;
	s3 =	sshll.u32 s1, $0x7  }
0x6: {  	s11 =	simm.s32 $0x0;
	s5 =	sadd.s32 $0xB72200, s5;
	s6 =	ssub.s32 $0xB71B00, s3  }
.Ltmp0:
0x7: {  	s1 =	rddreg [dreg:$0x2];
	s7 =	sand.u32 $0xF80, s6;
	(pc) =	sbr.rel .LBB1_1-.Ltmp0, $4  }
0x8: {  	_ =	strace $0x8000004A;
	p0 =	sne.s32 s7, $0x0;
	s7 =	simm.s32 $0x1  }
0x9: {  	[sflag:s4] =	ssyncpa.u1 $0x0;
	s6 =	sshrl.u32 s6, $0xC;
	s7 =	simm.s32 @!p0 $0x0  }
0xa: {  	s10 =	smov.u32 s3;
	[sflag:s8] =	ssyncpa.u1 $0x0;
	s6 =	sadd.s32 s7, s6  }
0xb: {  	s8 =	simm.s32 $0x2DC6C00;
	p0 =	por $0x0, $0x0;
	s7 =	sadd.s32 $0x1, s6  }
.LBB1_4:
0xc: {  	s15 =	sshll.u32 s9, $0x2  }
0xd: {  	s16 =	sand.u32 $0x7F, s9;
	p1 =	sgt.s32 s9, $0xB71A80;
	s15 =	sand.u32 $0xFFFFFE00, s15  }
0xe: {  	s18 =	smov.u32 s9;
	s19 =	sshra.s32 s9, $0x1F;
	s16 =	sor.u32 s16, s15  }
0xf: {  	s18 =	simm.s32 @!p1 $0xB71A80;
	s19 =	sand.u32 s19, s9;
	s17 =	smulhi.u32 $0x165E9F81, s16  }
0x10: {  	s18 =	ssub.s32 s18, s19;
	s15 =	smulhi.u32 $0x165E9F81, s15  }
0x11: {  	s18 =	sadd.s32 $0xFF48E580, s18;
	s17 =	sshrl.u32 s17, $0x14  }
0x12: {  	s15 =	sshrl.u32 s15, $0x14;
	s17 =	smul.u32 $0xB71B00, s17  }
0x13: {  	s28 =	sshll.u32 s18, $0x4;
	s15 =	sand.u32 $0x3, s15  }
0x14: {  	p1 =	sgt.s32 s18, $0x7F;
	s15 =	smul.u32 $0x16E360, s15;
	s16 =	ssub.s32 s16, s17  }
0x15: {  	s17 =	ssub.s32 $0x800, s28;
	s29 =	sshrl.u32 s16, $0x3;
	s16 =	sand.u32 $0x7, s16  }
0x16: {  	s17 =	sshrl.u32 s17, $0x2;
	s18 =	sadd.s32 s2, s29;
	s16 =	sshll.u32 s16, $0x12  }
0x17: {  	[tilespmem:s14+$0x0 ss:$0x81] =	vst.msk $0xffff, v0;
	s17 =	simm.s32 @p1 $0x0;
	s30 =	sadd.s32 s15, s18;
	s31 =	sor.u32 $0x200, s16  }
0x18: {  	[hbm4b:s30+s31] =	stream.strided.scatter [tilespmem:s13], [sflag:$0x2], s17, s8, s31, $0x20;
	[tilespmem:$0x4040] =	vst v63  }
.LBB1_5:
0x19: {  	p1 =	slt.u32 s11, $0x2  }
0x1a: {  	p2 =	sgt.s32 @!p1 s12, $0xB71A80  }
0x1b: {  	s13 =	smov.u32 s12;
	s14 =	sshra.s32 @!p1 s12, $0x1F;
	p2 =	por !p2, p1  }
0x1c: {  	s12 =	sand.u32 @!p1 s14, s12;
	s13 =	simm.s32 @p2 $0xB71A80  }
0x1d: {  	s12 =	ssub.s32 @!p1 s13, s12  }
0x1e: {  	s12 =	sadd.s32 @!p1 $0xFF48E580, s12  }
0x1f: {  	s13 =	sshll.u32 @!p1 s12, $0x4  }
0x20: {  	p2 =	sgt.s32 @!p1 s12, $0x7F;
	s12 =	ssub.s32 @!p1 $0x800, s13  }
0x21: {  	s14 =	sadd.s32 $0x1000, s10;
	p2 =	por !p2, p1;
	s12 =	sshrl.u32 @!p1 s12, $0x2  }
0x22: {  	s12 =	simm.s32 @!p2 $0x0;
	p2 =	sgt.s32 s14, $0xB71AFF  }
0x23: {  	s14 =	smov.u32 @p2 s3;
	p2 =	sne.s32 s11, s7  }
.Ltmp1:
0x24: {  	_ = 	snop;
	(pc) =	sbr.rel @!p2 .LBB1_6-.Ltmp1, $4  }
0x25: {  	s13 =	simm.s32 @!p1 $0x2  }
0x26: {  	p0 =	por !p0, !p0;
	_ =	swait.ge @!p1 [sflag:s13], s12;
	s15 =	ssub.s32 @!p1 $0x0, s12  }
0x27: {  	s12 =	smov.u32 s9;
	s11 =	sadd.s32 $0x1, s11;
	[sflag:s13] =	ssyncset.done @!p1 $0x0  }
0x28: {  	s9 =	smov.u32 s10;
	s10 =	smov.u32 s14;
	[sflag:s13] =	ssyncadd.s32 @!p1 s15  }
.LBB1_1:
0x29: {  	p1 =	sge.u32 s11, s6  }
0x2a: {  	s31 =	sadd.s32 $0xFFFFFFFF, s11;
	s13 =	sxor.u32 @!p1 $0xFFFFFFFF, s11  }
0x2b: {  	s14 =	sshll.u32 @!p1 s10, $0x4;
	s15 =	simm.s32 @!p1 $0x20;
	s13 =	sshll.u32 @!p1 s13, $0xC  }
0x2c: {  	s16 =	simm.s32 @!p1 $0x80;
	s14 =	sadd.s32 @!p1 s5, s14;
	s13 =	sand.u32 @!p1 $0x1000, s13  }
0x2d: {  	[tilespmem:s13], [sflag:$0x1] =	stream.strided.gather @!p1 [hbm4b:s14+s15], $0x1000, s16, s15, $0x38;
	[tilespmem:$0x4040] =	vst v63  }
0x2e: {  	p1 =	sge.u32 s31, s6  }
.Ltmp2:
0x2f: {  	_ = 	snop;
	(pc) =	sbr.rel @p1 .LBB1_5-.Ltmp2, $1  }
0x30: {  	_ =	sdelay $0x3  }
0x31: {  	s13 =	simm.s32 $0x1  }
0x32: {  	_ =	swait.ge [sflag:s4], $0x1000;
	s13 =	simm.s32 @!p0 $0x0  }
0x33: {  	[sflag:s4] =	ssyncset.done $0x0;
	s14 =	sshll.u32 s13, $0xC  }
0x34: {  	[sflag:s4] =	ssyncadd.s32 $0xFFFFF000;
	s17 =	sor.u32 $0x10, s14  }
0x35: {  	s13 =	smul.u32 $0x4080, s13;
	v1 =	vld [tilespmem:s17+$0x0]  }
0x36: {  	s30 =	sand.u32 $0x1, s11;
	v0 =	vld [tilespmem:s17+$0xFFFFFFF0]  }
0x37: {  	s14 =	smul.u32 $0x4080, s30;
	s13 =	sshrl.u32 s13, $0x2  }
0x38: {  	s15 =	sor.u32 $0x2000, s13  }
0x39: {  	s31 =	sshrl.u32 s14, $0x2;
	s14 =	sadd.s32 $0x0, s15  }
0x3a: {  	s16 =	simm.s32 $0x4;
	s17 =	sadd.s32 $0x20, s17;
	s13 =	sor.u32 $0x2000, s31;
	[tilespmem:s14+$0x810 ss:$0x81] =	vst.msk $0xffff, v1  }
.LBB1_3:
0x3b: {  	v1 =	vld [tilespmem:s17+$0x0];
	p1 =	sne.s32 s16, $0x1FC;
	[tilespmem:s14+$0x0 ss:$0x81] =	vst.msk $0xffff, v0;
	s14 =	smov.u32 s16;
	s16 =	sadd.s32 $0x4, s16  }
.Ltmp3:
0x3c: {  	v0 =	vld [tilespmem:s17+$0xFFFFFFF0];
	(pc) =	sbr.rel @p1 .LBB1_3-.Ltmp3, $4  }
0x3d: {  	_ = 	snop  }
0x3e: {  	s14 =	sshra.s32 s14, $0x2  }
0x3f: {  	s14 =	sadd.s32 s14, s15  }
0x40: {  	s17 =	sadd.s32 $0x20, s17;
	[tilespmem:s14+$0x810 ss:$0x81] =	vst.msk $0xffff, v1  }
.Ltmp4:
0x41: {  	_ = 	snop;
	(pc) =	sbr.rel .LBB1_4-.Ltmp4, $1  }
0x42: {  	_ =	sdelay $0x3  }
.LBB1_6:
0x43: {  	_ =	sfence.sel $0x180000  }
0x44: {  	s2 =	simm.s32 $0x1;
	[bflag:$0x0] =	sbarrier.arrive $0xFFFF  }
0x45: {  	s31 =	simm.s32 $0x2;
	[sflag:s2] =	ssyncpa.u1 $0x1  }
0x46: {  	[sflag:s31] =	ssyncpa.u1 $0x1  }
0x47: {  	p0 =	sne.s32 s0, $0x0;
	_ =	strace $0x9000004A  }
0x48: {  	s0 =	sadd.s32 @!p0 $0x100000, s1;
	[bflag:$0x2] =	sbarrier.arrive $0xFFFF  }
0x49: {  	[sflag:s0] =	ssyncadd.tile.s32 @!p0 $0x1;
	_ =	shalt  }
.Lfunc_end1:
_tile_overlayer_lowered:
.L_overlay_start_2:
0x4a: {  	(tag) =	ssettag $0x2  }
0x4b: {  	s0 =	rddreg [dreg:$0x0];
	s2 =	stileid.u32  }
0x4c: {  	s1 =	rddreg [dreg:$0x1];
	p0 =	sne.s32 s2, $0x0  }
0x4d: {  	s3 =	rddreg [dreg:$0x2];
	[bflag:$0x3] =	sbarrier.arrive $0xFFFF;
	s2 =	simm.s32 @!p0 $0x1C01  }
0x4e: {  	[timem:s3], [sflag:s2] =	dma.local @!p0 [hbm:s0], s1  }
0x4f: {  	s0 =	simm.s32 @!p0 $0x1  }
0x50: {  	_ =	swait.ge @!p0 [sflag:s0], s1  }
0x51: {  	s1 =	ssub.s32 @!p0 $0x0, s1;
	[sflag:s0] =	ssyncset.done @!p0 $0x0  }
0x52: {  	[sflag:s0] =	ssyncadd.s32 @!p0 s1  }
0x53: {  	[bflag:$0x3] =	sbarrier.arrive $0xFFFF  }
0x54: {  	_ =	shalt  }

// kernel: sparse-core-data-format-call.cloned.1.call-start
scs
called_computation_lowered:
.L_overlay_start_0:
0x0: {  	s2 =	sld [smem:$0x3FD9]  }
0x1: {  	s3 =	sld [smem:$0x3FFE];
	_ =	sdelay $0x1  }
0x2: {  	s1 =	srdreg.scid  }
0x3: {  	s0 =	sand.u32 $0x1, s1  }
0x4: {  	s18 =	sshll.u32 s0, $0xA;
	s2 =	sadd.s32 s3, s2  }
0x5: {  	s2 =	sadd.s32 s2, s18  }
0x6: {  	[smem:$0x3FC6] =	sst s2  }
0x7: {  	_ = 	snop  }
0x8: {  	s2 =	sld [smem:$0x3FD0];
	(tm) =	ssettm $0x1  }
0x9: {  	s19 =	sld [smem:$0x3FFB];
	_ =	sdelay $0x3  }
0xa: {  	_ =	strace s19  }
0xb: {  	s3 =	sld [smem:$0x3FFC];
	_ =	sdelay $0x3  }
0xc: {  	_ =	strace s3  }
0xd: {  	s3 =	sld [smem:$0x3FFD];
	_ =	sdelay $0x3  }
0xe: {  	_ =	strace s3  }
0xf: {  	_ =	strace $0x8FFFFFFF  }
0x10: {  	s20 =	sld [smem:$0x3FDB];
	_ =	sdelay $0x1  }
0x11: {  	s4 =	simm.s32 $_scs_section_size  }
0x12: {  	s5 =	simm.s32 $_size__tile_overlayer_lowered;
	s6 =	simm.s32 $_tile_overlayer_lowered  }
0x13: {  	s23 =	simm.s32 $0x1BFF;
	s22 =	sshll.u32 s6, $0x1;
	s3 =	sadd.s32 s4, s20  }
0x14: {  	s7 =	simm.s32 $0x0;
	s21 =	sshll.u32 s5, $0x1;
	s5 =	sadd.s32 s22, s3  }
0x15: {  	[timem:s7], [sflag:s23] =	dma.local [hbm:s5], s21  }
0x16: {  	_ =	swait.ge [sflag:s23], s21  }
0x17: {  	s4 =	ssub.s32 $0x0, s21;
	[sflag:s23] =	ssyncset.done $0x0  }
0x18: {  	[sflag:s23] =	ssyncadd.s32 s4;
	_ =	sdelay $0x1  }
0x19: {  	s24 =	simm.s32 $0x1B8B  }
0x1a: {  	_ =	swait.ge [sflag:s24], $0x1  }
0x1b: {  	[sflag:s24] =	ssyncset.done $0x0  }
0x1c: {  	s26 =	simm.s32 $0x1B8E;
	s25 =	sld [smem:$0x3FFE];
	[sflag:s24] =	ssyncadd.s32 $0xFFFFFFFF  }
0x1d: {  	s27 =	simm.s32 $execute0_lowered;
	[smem:$0x3FD2] =	sst s26  }
0x1e: {  	s5 =	sshll.u32 s27, $0x1;
	_ =	strace $0x8000004C;
	[dreg:$0x1] =	wrdreg $0xFFFFFFFF  }
0x1f: {  	s28 =	simm.s32 $_size_execute0_lowered;
	s3 =	sadd.s32 s3, s5;
	[dreg:$0x0] =	wrdreg $0x0  }
0x20: {  	s5 =	sshll.u32 s28, $0x1;
	[dreg:$0x2] =	wrdreg s3  }
0x21: {  	[dreg:$0x3] =	wrdreg s5  }
0x22: {  	[dreg:$0x4] =	wrdreg $0xC0  }
0x23: {  	_ =	task [dreg:s7], $0x5FFFF  }
0x24: {  	[dreg:$0x1] =	wrdreg $0xFFFFFFFF  }
0x25: {  	[dreg:$0x0] =	wrdreg $0x60  }
0x26: {  	[dreg:$0x2] =	wrdreg s25  }
0x27: {  	[dreg:$0x3] =	wrdreg s2  }
0x28: {  	[dreg:$0x4] =	wrdreg $0x9  }
0x29: {  	_ =	task.clear_ibuf [dreg:s7], $0x5FFFF;
	_ =	strace $0x9000004C  }
0x2a: {  	s29 =	simm.s32 $0x9;
	_ =	strace $0x8000004E  }
0x2b: {  	_ =	swait.ge [sflag:s29], $0x1  }
0x2c: {  	[sflag:s29] =	ssyncadd.s32 $0xFFFFFFFF  }
0x2d: {  	_ =	strace $0x9000004E  }
0x2e: {  	_ =	sfence  }
0x2f: {  	s30 =	sld [smem:$0x0];
	_ =	sdelay $0x2  }
0x30: {  	s31 =	sshll.u32 s1, $0xD;
	s1 =	sshrl.u32 s1, $0x2  }
0x31: {  	s3 =	sand.u32 $0x4000, s31;
	s1 =	sadd.s32 s1, s30  }
0x32: {  	s0 =	sor.u32 s3, s0;
	s1 =	sshll.u32 s1, $0x11  }
0x33: {  	s0 =	sor.u32 s1, s0  }
0x34: {  	s0 =	sadd.s32 $0x8F2B, s0  }
0x35: {  	[sflag:s0] =	ssyncadd.remote.s32 $0x1  }
0x36: {  	_ =	sfence.sel $0xFFFF  }
0x37: {  	[dreg:$0x0] =	wrdreg $0xFFFFFFFF;
	(pc) =	sbr.abs _section_cstart, $3  }
0x38: {  	[dreg:$0x1] =	wrdreg $0xFFFFFFFF  }
0x39: {  	_ =	task.clear_ibuf [dreg:s7], $0x2FFFF;
	_ =	strace $0x9FFFFFFF  }
0x3a: {  	(tm) =	ssettm $0x7FFFFFFF  }
0x3b: {  	_ =	shalt  }
tec
execute0_lowered:
.L_overlay_start_1:
0x0: {  	(tag) =	ssettag $0x1  }
0x1: {  	s0 =	srdreg.scid  }
0x2: {  	s1 =	sshll.u32 s0, $0x4  }
0x3: {  	s6 =	rddreg [dreg:$0x0];
	s0 =	stileid.u32;
	s1 =	sand.u32 $0x10, s1  }
0x4: {  	s3 =	rddreg [dreg:$0x1];
	s1 =	sor.u32 s0, s1  }
0x5: {  	s5 =	simm.s32 $0x1;
	s31 =	simm.s32 $0x2;
	s2 =	sshll.u32 s1, $0x7  }
0x6: {  	s14 =	simm.s32 $0x0;
	s8 =	simm.s32 $0xF42400;
	s4 =	ssub.s32 $0x3D0900, s2  }
0x7: {  	s15 =	simm.s32 $0x0;
	s9 =	simm.s32 $0x0;
	s30 =	sand.u32 $0xF80, s4  }
0x8: {  	s10 =	simm.s32 $0x0;
	s12 =	simm.s32 $0x0;
	p0 =	sne.s32 s30, $0x0  }
.Ltmp0:
0x9: {  	s7 =	sshrl.u32 s4, $0xC;
	s5 =	simm.s32 @!p0 $0x0;
	(pc) =	sbr.rel .LBB1_1-.Ltmp0, $4  }
0xa: {  	s13 =	simm.s32 $0x0;
	s1 =	rddreg [dreg:$0x2];
	s5 =	sadd.s32 s5, s7  }
0xb: {  	_ =	strace $0x8000004D;
	s4 =	simm.s32 $0x1;
	s5 =	smul.u32 $0x3, s5  }
0xc: {  	s6 =	sadd.s32 $0x44B200, s6;
	s11 =	smov.u32 s2;
	[sflag:s4] =	ssyncpa.u1 $0x0  }
0xd: {  	[sflag:s31] =	ssyncpa.u1 $0x0;
	p0 =	por $0x0, $0x0;
	s7 =	sadd.s32 $0x1, s5  }
.LBB1_4:
0xe: {  	s18 =	sshrl.u32 s10, $0x2;
	s19 =	sshll.u32 s9, $0x2;
	s20 =	sshll.u32 s10, $0x7  }
0xf: {  	s26 =	sand.u32 $0x7F, s9;
	p1 =	sgt.s32 s10, $0x3;
	s21 =	smov.u32 s10  }
0x10: {  	s22 =	sshra.s32 s10, $0x1F;
	s23 =	sshra.s32 s9, $0x1F;
	s18 =	smul.u32 $0xF42400, s18  }
0x11: {  	s19 =	sand.u32 $0xFFFFFE00, s19;
	s25 =	sand.u32 $0x180, s20;
	s21 =	simm.s32 @!p1 $0x3  }
0x12: {  	s22 =	sand.u32 s22, s10;
	p1 =	sgt.s32 s9, $0x3D0880;
	s18 =	sadd.s32 s18, s19  }
0x13: {  	s21 =	ssub.s32 s21, s22;
	s22 =	smov.u32 s9;
	s18 =	sor.u32 s25, s18  }
0x14: {  	s23 =	sand.u32 s23, s9;
	s22 =	simm.s32 @!p1 $0x3D0880;
	s19 =	sor.u32 s26, s18  }
0x15: {  	s27 =	sadd.s32 $0xFFFFFFFD, s21;
	s21 =	ssub.s32 $0x4, s21;
	s20 =	smulhi.u32 $0x431BDE83, s19  }
0x16: {  	s22 =	ssub.s32 s22, s23;
	p1 =	sgt.s32 s27, $0x0;
	s18 =	smulhi.u32 $0x431BDE83, s18  }
0x17: {  	s21 =	smul.u32 $0x3, s21;
	s28 =	sadd.s32 $0xFFC2F780, s22;
	s20 =	sshrl.u32 s20, $0x14  }
0x18: {  	s22 =	ssub.s32 $0x3D0900, s22;
	p2 =	sgt.s32 s28, $0x7F;
	s20 =	smul.u32 $0x3D0900, s20  }
0x19: {  	s21 =	simm.s32 @p1 $0x0;
	s18 =	sshrl.u32 s18, $0x14;
	s22 =	simm.s32 @p2 $0x0  }
0x1a: {  	s18 =	sand.u32 $0x3, s18;
	s29 =	smul.u32 s22, s21;
	s19 =	ssub.s32 s19, s20  }
0x1b: {  	s18 =	smul.u32 $0x7A120, s18;
	s30 =	sshrl.u32 s19, $0x3;
	s19 =	sand.u32 $0x7, s19  }
0x1c: {  	s21 =	sadd.s32 s3, s30;
	s19 =	sshll.u32 s19, $0x12  }
0x1d: {  	[tilespmem:s17+$0x0 ss:$0x81] =	vst.msk $0xffff, v0;
	s31 =	sand.u32 $0x3FFFFFFF, s29;
	s18 =	sadd.s32 s18, s21;
	s19 =	sor.u32 $0x80, s19  }
0x1e: {  	[hbm4b:s18+s19] =	stream.strided.scatter [tilespmem:s16], [sflag:$0x2], s31, s8, s19, $0x20;
	[tilespmem:$0x4040] =	vst v63  }
.LBB1_5:
0x1f: {  	p1 =	slt.u32 s13, $0x2  }
0x20: {  	s17 =	smov.u32 s15;
	p2 =	sgt.s32 @!p1 s15, $0x3;
	s16 =	sshra.s32 @!p1 s15, $0x1F  }
0x21: {  	p3 =	sgt.s32 @!p1 s14, $0x3D0880;
	s18 =	sshra.s32 @!p1 s14, $0x1F;
	p2 =	por !p2, p1  }
0x22: {  	s15 =	sand.u32 @!p1 s16, s15;
	p3 =	por !p3, p1;
	s16 =	smov.u32 s14  }
0x23: {  	s14 =	sand.u32 @!p1 s18, s14;
	s17 =	simm.s32 @p2 $0x3;
	s16 =	simm.s32 @p3 $0x3D0880  }
0x24: {  	s15 =	ssub.s32 @!p1 s17, s15;
	s14 =	ssub.s32 @!p1 s16, s14  }
0x25: {  	s16 =	sadd.s32 @!p1 $0xFFFFFFFD, s15;
	s15 =	ssub.s32 @!p1 $0x4, s15;
	s17 =	sadd.s32 @!p1 $0xFFC2F780, s14  }
0x26: {  	p2 =	sgt.s32 @!p1 s16, $0x0;
	s15 =	smul.u32 @!p1 $0x3, s15;
	p3 =	sgt.s32 @!p1 s17, $0x7F  }
0x27: {  	s14 =	ssub.s32 @!p1 $0x3D0900, s14;
	p2 =	por !p2, p1;
	p3 =	por !p3, p1  }
0x28: {  	s16 =	sadd.s32 $0x1000, s11;
	s15 =	simm.s32 @!p2 $0x0;
	s14 =	simm.s32 @!p3 $0x0  }
0x29: {  	p2 =	sgt.s32 s16, $0x3D08FF;
	s14 =	smul.u32 @!p1 s14, s15;
	s15 =	simm.s32 $0x1  }
0x2a: {  	s15 =	simm.s32 @!p2 $0x0  }
0x2b: {  	s19 =	sadd.s32 s15, s12  }
0x2c: {  	s16 =	smov.u32 @p2 s2;
	p2 =	sgt.s32 s19, $0x2  }
0x2d: {  	s19 =	simm.s32 @p2 $0x0;
	p2 =	sne.s32 s13, s7  }
.Ltmp1:
0x2e: {  	p0 =	por !p0, !p0;
	s17 =	simm.s32 @!p1 $0x2;
	(pc) =	sbr.rel @!p2 .LBB1_6-.Ltmp1, $4  }
0x2f: {  	s14 =	sand.u32 @!p1 $0x3FFFFFFF, s14;
	s15 =	smov.u32 s10;
	s10 =	smov.u32 s12  }
0x30: {  	_ =	swait.ge @!p1 [sflag:s17], s14;
	s18 =	ssub.s32 @!p1 $0x0, s14;
	s14 =	smov.u32 s9  }
0x31: {  	s9 =	smov.u32 s11;
	s11 =	smov.u32 s16;
	[sflag:s17] =	ssyncset.done @!p1 $0x0  }
0x32: {  	s13 =	sadd.s32 $0x1, s13;
	[sflag:s17] =	ssyncadd.s32 @!p1 s18;
	s12 =	smov.u32 s19  }
.LBB1_1:
0x33: {  	p1 =	sge.u32 s13, s5  }
0x34: {  	s16 =	sand.u32 @!p1 $0x1FFFFFF, s11  }
0x35: {  	s17 =	smulhi.u32 @!p1 $0x218DEF5, s16;
	_ =	sdelay $0x1  }
0x36: {  	s17 =	sshrl.u32 @!p1 s17, $0xF  }
0x37: {  	s17 =	smul.u32 @!p1 $0x3D0900, s17  }
0x38: {  	s18 =	sxor.u32 @!p1 $0xFFFFFFFF, s13;
	s19 =	smul.u32 @!p1 $0x3D09000, s12  }
0x39: {  	s31 =	sadd.s32 $0xFFFFFFFF, s13;
	s18 =	sshll.u32 @!p1 s18, $0xC;
	s16 =	ssub.s32 @!p1 s16, s17  }
0x3a: {  	s17 =	sand.u32 @!p1 $0x1000, s18;
	s18 =	sadd.s32 @!p1 s6, s19;
	s16 =	sshll.u32 @!p1 s16, $0x4  }
0x3b: {  	s19 =	simm.s32 @!p1 $0x80;
	s16 =	sadd.s32 @!p1 s16, s18;
	s18 =	simm.s32 @!p1 $0x20  }
0x3c: {  	[tilespmem:s17], [sflag:$0x1] =	stream.strided.gather @!p1 [hbm4b:s16+s18], $0x1000, s19, s18, $0x38;
	[tilespmem:$0x4040] =	vst v63  }
0x3d: {  	p1 =	sge.u32 s31, s5  }
.Ltmp2:
0x3e: {  	_ = 	snop;
	(pc) =	sbr.rel @p1 .LBB1_5-.Ltmp2, $1  }
0x3f: {  	_ =	sdelay $0x3  }
0x40: {  	s16 =	simm.s32 $0x1  }
0x41: {  	_ =	swait.ge [sflag:s4], $0x1000;
	s16 =	simm.s32 @!p0 $0x0  }
0x42: {  	[sflag:s4] =	ssyncset.done $0x0;
	s17 =	sshll.u32 s16, $0xC  }
0x43: {  	[sflag:s4] =	ssyncadd.s32 $0xFFFFF000;
	s20 =	sor.u32 $0x10, s17  }
0x44: {  	s16 =	smul.u32 $0x4080, s16;
	v1 =	vld [tilespmem:s20+$0x0]  }
0x45: {  	s30 =	sand.u32 $0x1, s13;
	v0 =	vld [tilespmem:s20+$0xFFFFFFF0]  }
0x46: {  	s17 =	smul.u32 $0x4080, s30;
	s16 =	sshrl.u32 s16, $0x2  }
0x47: {  	s18 =	sor.u32 $0x2000, s16  }
0x48: {  	s31 =	sshrl.u32 s17, $0x2;
	s17 =	sadd.s32 $0x0, s18  }
0x49: {  	s19 =	simm.s32 $0x4;
	s20 =	sadd.s32 $0x20, s20;
	s16 =	sor.u32 $0x2000, s31;
	[tilespmem:s17+$0x810 ss:$0x81] =	vst.msk $0xffff, v1  }
.LBB1_3:
0x4a: {  	v1 =	vld [tilespmem:s20+$0x0];
	p1 =	sne.s32 s19, $0x1FC;
	[tilespmem:s17+$0x0 ss:$0x81] =	vst.msk $0xffff, v0;
	s17 =	smov.u32 s19;
	s19 =	sadd.s32 $0x4, s19  }
.Ltmp3:
0x4b: {  	v0 =	vld [tilespmem:s20+$0xFFFFFFF0];
	(pc) =	sbr.rel @p1 .LBB1_3-.Ltmp3, $4  }
0x4c: {  	_ = 	snop  }
0x4d: {  	s17 =	sshra.s32 s17, $0x2  }
0x4e: {  	s17 =	sadd.s32 s17, s18  }
0x4f: {  	s20 =	sadd.s32 $0x20, s20;
	[tilespmem:s17+$0x810 ss:$0x81] =	vst.msk $0xffff, v1  }
.Ltmp4:
0x50: {  	_ = 	snop;
	(pc) =	sbr.rel .LBB1_4-.Ltmp4, $1  }
0x51: {  	_ =	sdelay $0x3  }
.LBB1_6:
0x52: {  	_ =	sfence.sel $0x180000  }
0x53: {  	s2 =	simm.s32 $0x1;
	[bflag:$0x0] =	sbarrier.arrive $0xFFFF  }
0x54: {  	s31 =	simm.s32 $0x2;
	[sflag:s2] =	ssyncpa.u1 $0x1  }
0x55: {  	[sflag:s31] =	ssyncpa.u1 $0x1  }
0x56: {  	p0 =	sne.s32 s0, $0x0;
	_ =	strace $0x9000004D  }
0x57: {  	s0 =	sadd.s32 @!p0 $0x100000, s1;
	[bflag:$0x2] =	sbarrier.arrive $0xFFFF  }
0x58: {  	[sflag:s0] =	ssyncadd.tile.s32 @!p0 $0x1;
	_ =	shalt  }
.Lfunc_end1:
_tile_overlayer_lowered:
.L_overlay_start_2:
0x59: {  	(tag) =	ssettag $0x2  }
0x5a: {  	s0 =	rddreg [dreg:$0x0];
	s2 =	stileid.u32  }
0x5b: {  	s1 =	rddreg [dreg:$0x1];
	p0 =	sne.s32 s2, $0x0  }
0x5c: {  	s3 =	rddreg [dreg:$0x2];
	[bflag:$0x3] =	sbarrier.arrive $0xFFFF;
	s2 =	simm.s32 @!p0 $0x1C01  }
0x5d: {  	[timem:s3], [sflag:s2] =	dma.local @!p0 [hbm:s0], s1  }
0x5e: {  	s0 =	simm.s32 @!p0 $0x1  }
0x5f: {  	_ =	swait.ge @!p0 [sflag:s0], s1  }
0x60: {  	s1 =	ssub.s32 @!p0 $0x0, s1;
	[sflag:s0] =	ssyncset.done @!p0 $0x0  }
0x61: {  	[sflag:s0] =	ssyncadd.s32 @!p0 s1  }
0x62: {  	[bflag:$0x3] =	sbarrier.arrive $0xFFFF  }
0x63: {  	_ =	shalt  }

</sc_bundles>
